<compile_context>
chip_gen: v7x
topology: tpu7x:2x2x1
jax: 0.10.2.dev20260603
libtpu: 0.0.44.dev20260713+nightly
codegen_flags: <defaults>
</compile_context>

<pallas_src>
import functools

import jax
import jax.numpy as jnp
from jax import lax
from jax.experimental import pallas as pl
from jax.experimental.pallas import tpu as pltpu
from jax.experimental.pallas import tpu_sc as plsc

BATCH = 4096
SEQ_LEN = 200
EMBED_DIM = 64
PAD_DIM = 128
VOCAB = 1000000

NUM_CORES = 2
NUM_SUBCORES = 16
NUM_WORKERS = NUM_CORES * NUM_SUBCORES

TOTAL = BATCH * SEQ_LEN
PER_WORKER = TOTAL // NUM_WORKERS
CHUNK = 64
NCHUNK = PER_WORKER // CHUNK
NBUF = 8


def _emb_kernel(idx_hbm, table_hbm, out_hbm, idx_v, rows_v, gsem, osem):
    wid = lax.axis_index("s") * NUM_CORES + lax.axis_index("c")
    base = wid * PER_WORKER
    pltpu.sync_copy(idx_hbm.at[wid], idx_v)

    def gather(c, b):
        pltpu.async_copy(
            table_hbm.at[idx_v.at[pl.ds(c * CHUNK, CHUNK)]],
            rows_v.at[b],
            gsem.at[b],
        )

    def gather_wait(c, b):
        pltpu.make_async_copy(
            table_hbm.at[idx_v.at[pl.ds(c * CHUNK, CHUNK)]],
            rows_v.at[b],
            gsem.at[b],
        ).wait()

    def writeout(c, b):
        pltpu.async_copy(
            rows_v.at[b], out_hbm.at[pl.ds(base + c * CHUNK, CHUNK)], osem.at[b]
        )

    def writeout_wait(c, b):
        pltpu.make_async_copy(
            rows_v.at[b], out_hbm.at[pl.ds(base + c * CHUNK, CHUNK)], osem.at[b]
        ).wait()

    for b in range(NBUF):
        gather(b, b)

    def body(jj, carry):
        for b in range(NBUF):
            c = jj * NBUF + b
            gather_wait(c, b)
            writeout(c, b)

            @pl.when(c + NBUF < NCHUNK)
            def _():
                writeout_wait(c, b)
                gather(c + NBUF, b)

        return carry

    lax.fori_loop(0, NCHUNK // NBUF, body, 0)

    for b in range(NBUF):
        writeout_wait(NCHUNK - NBUF + b, b)


def kernel(x, weight):
    idx = x.astype(jnp.int32).reshape(NUM_WORKERS, PER_WORKER)
    proj = jnp.concatenate(
        [jnp.eye(EMBED_DIM, dtype=jnp.float32),
         jnp.zeros((EMBED_DIM, PAD_DIM - EMBED_DIM), jnp.float32)],
        axis=1,
    )
    table = weight @ proj
    mesh = plsc.VectorSubcoreMesh(core_axis_name="c", subcore_axis_name="s")

    emb = functools.partial(
        pl.kernel,
        mesh=mesh,
        out_type=jax.ShapeDtypeStruct((TOTAL, PAD_DIM), jnp.float32),
        scratch_types=[
            pltpu.VMEM((PER_WORKER,), jnp.int32),
            pltpu.VMEM((NBUF, CHUNK, PAD_DIM), jnp.float32),
            pltpu.SemaphoreType.DMA((NBUF,)),
            pltpu.SemaphoreType.DMA((NBUF,)),
        ],
    )(_emb_kernel)

    out = emb(idx, table)
    return out.reshape(BATCH, SEQ_LEN, PAD_DIM)[..., :EMBED_DIM]

# --- scband reference (transcript-rebuilt; emitter-appended) ---
"""Pipeline reference for scband-embedding-83451214561916 (READ-ONLY COPY).

The authoritative reference and input builder live on the scoring server;
editing this copy changes nothing except your own understanding.
"""

import jax, jax.numpy as jnp
import numpy as np

VOCAB_SIZE = 1000000
EMBED_DIM = 64
BATCH = 4096
SEQ_LEN = 200

def setup_inputs(seed: int = 0) -> dict:
    key = jax.random.key(seed)
    k1, k2 = jax.random.split(key)
    x = jax.random.randint(k1, (BATCH, SEQ_LEN), 0, VOCAB_SIZE, dtype=jnp.int64 if jax.config.jax_enable_x64 else jnp.int32)
    weight = jax.random.normal(k2, (VOCAB_SIZE, EMBED_DIM), dtype=jnp.float32) * 0.01
    return {"x": x, "weight": weight}

def reference(x, weight):
    # y[i, j, :] = weight[x[i, j], :]
    return jnp.take(weight, x, axis=0)

if __name__ == "__main__":
    import jax
    _d = setup_inputs()
    print(jax.jit(kernel)(*tuple(_d.values())))

</pallas_src>

<mosaic_0001>
#map = affine_map<(d0, d1) -> (0, 0)>
module attributes {stable_mosaic.version = 14 : i64} {
  func.func @_emb_kernel(%arg0: i32, %arg1: i32, %arg2: memref<32x25600xi32, #tpu.memory_space<hbm>>, %arg3: memref<1000000x128xf32, #tpu.memory_space<hbm>>, %arg4: memref<819200x128xf32, #tpu.memory_space<hbm>>, %arg5: memref<25600xi32, #tpu.memory_space<vmem>>, %arg6: memref<8x64x128xf32, #tpu.memory_space<vmem>>, %arg7: memref<8x!tpu.dma_semaphore, #tpu.memory_space<semaphore_mem>>, %arg8: memref<8x!tpu.dma_semaphore, #tpu.memory_space<semaphore_mem>>) attributes {dimension_semantics = [#tpu.dimension_semantics<core_parallel>, #tpu.dimension_semantics<subcore_parallel>], iteration_bounds = array<i64: 2, 16>, scalar_prefetch = 0 : i64, scratch_operands = 4 : i64, tpu.core_type = #tpu.core_type<sc_vector_subcore>, window_params = [{transform_indices = #map}, {transform_indices = #map}, {transform_indices = #map}]} {
    %mul3A = arith.constant 2 : i32
    %mul3A_0 = arith.muli %arg1, %mul3A : i32
    %add3A = arith.addi %mul3A_0, %arg0 : i32
    %mul3A_1 = arith.constant 25600 : i32
    %mul3A_2 = arith.muli %add3A, %mul3A_1 : i32
    "tpu.region"() ({
      %run_scoped3A = tpu.sem_alloc : memref<!tpu.dma_semaphore, #tpu.memory_space<semaphore_mem>>
      %dma_start3A_254 = arith.constant 0 : i32
      %dma_start3A_255 = tpu.memref_slice %arg2[%add3A, %dma_start3A_254] : memref<32x25600xi32, #tpu.memory_space<hbm>> -> memref<1x25600xi32, #tpu.memory_space<hbm>>
      %dma_start3A_256 = tpu.memref_squeeze %dma_start3A_255 : memref<1x25600xi32, #tpu.memory_space<hbm>> -> memref<25600xi32, #tpu.memory_space<hbm>>
      %dma_start3A_257 = arith.constant 0 : i32
      %dma_start3A_258 = tpu.memref_slice %arg2[%add3A, %dma_start3A_257] : memref<32x25600xi32, #tpu.memory_space<hbm>> -> memref<1x25600xi32, #tpu.memory_space<hbm>>
      %dma_start3A_259 = tpu.memref_squeeze %dma_start3A_258 : memref<1x25600xi32, #tpu.memory_space<hbm>> -> memref<25600xi32, #tpu.memory_space<hbm>>
      tpu.enqueue_dma source(%dma_start3A_259 : memref<25600xi32, #tpu.memory_space<hbm>>) target(%arg5 : memref<25600xi32, #tpu.memory_space<vmem>>) target_semaphore(%run_scoped3A : memref<!tpu.dma_semaphore, #tpu.memory_space<semaphore_mem>>)
      %dma_wait3A_260 = arith.constant 0 : i32
      %dma_wait3A_261 = tpu.memref_slice %arg2[%add3A, %dma_wait3A_260] : memref<32x25600xi32, #tpu.memory_space<hbm>> -> memref<1x25600xi32, #tpu.memory_space<hbm>>
      %dma_wait3A_262 = tpu.memref_squeeze %dma_wait3A_261 : memref<1x25600xi32, #tpu.memory_space<hbm>> -> memref<25600xi32, #tpu.memory_space<hbm>>
      %dma_wait3A_263 = arith.constant 0 : i32
      %dma_wait3A_264 = tpu.memref_slice %arg2[%add3A, %dma_wait3A_263] : memref<32x25600xi32, #tpu.memory_space<hbm>> -> memref<1x25600xi32, #tpu.memory_space<hbm>>
      %dma_wait3A_265 = tpu.memref_squeeze %dma_wait3A_264 : memref<1x25600xi32, #tpu.memory_space<hbm>> -> memref<25600xi32, #tpu.memory_space<hbm>>
      tpu.wait_dma2 semaphore(%run_scoped3A : memref<!tpu.dma_semaphore, #tpu.memory_space<semaphore_mem>>) src(%dma_wait3A_265 : memref<25600xi32, #tpu.memory_space<hbm>>) dst(%arg5 : memref<25600xi32, #tpu.memory_space<vmem>>)
      tpu.yield
    }) : () -> ()
    %dma_start3A = arith.constant 0 : i32
    %dma_start3A_3 = arith.constant 0 : i32
    %dma_start3A_4 = arith.constant 0 : i32
    %dma_start3A_5 = arith.constant 0 : i32
    %dma_start3A_6 = tpu.memref_slice %arg6[%dma_start3A, %dma_start3A_4, %dma_start3A_5] : memref<8x64x128xf32, #tpu.memory_space<vmem>> -> memref<1x64x128xf32, #tpu.memory_space<vmem>>
    %dma_start3A_7 = tpu.memref_squeeze %dma_start3A_6 : memref<1x64x128xf32, #tpu.memory_space<vmem>> -> memref<64x128xf32, #tpu.memory_space<vmem>>
    %dma_start3A_8 = arith.constant 0 : i32
    %dma_start3A_9 = tpu.memref_slice %arg5[%dma_start3A_8] : memref<25600xi32, #tpu.memory_space<vmem>> -> memref<64xi32, #tpu.memory_space<vmem>>
    %dma_start3A_10 = arith.constant 0 : i32
    %dma_start3A_11 = arith.constant 0 : i32
    %dma_start3A_12 = tpu.memref_slice %arg3[%dma_start3A_10, %dma_start3A_11] : memref<1000000x128xf32, #tpu.memory_space<hbm>> -> memref<1000000x128xf32, #tpu.memory_space<hbm>>
    %dma_start3A_13 = tpu.memref_slice %arg7[%dma_start3A_3] : memref<8x!tpu.dma_semaphore, #tpu.memory_space<semaphore_mem>> -> memref<1x!tpu.dma_semaphore, #tpu.memory_space<semaphore_mem>>
    %dma_start3A_14 = tpu.memref_squeeze %dma_start3A_13 : memref<1x!tpu.dma_semaphore, #tpu.memory_space<semaphore_mem>> -> memref<!tpu.dma_semaphore, #tpu.memory_space<semaphore_mem>>
    tpu.enqueue_indirect_dma source(%dma_start3A_12 : memref<1000000x128xf32, #tpu.memory_space<hbm>>) target(%dma_start3A_7 : memref<64x128xf32, #tpu.memory_space<vmem>>) offsets(%dma_start3A_9 : memref<64xi32, #tpu.memory_space<vmem>>) semaphore(%dma_start3A_14 : memref<!tpu.dma_semaphore, #tpu.memory_space<semaphore_mem>>)
    %dma_start3A_15 = arith.constant 1 : i32
    %dma_start3A_16 = arith.constant 1 : i32
    %dma_start3A_17 = arith.constant 0 : i32
    %dma_start3A_18 = arith.constant 0 : i32
    %dma_start3A_19 = tpu.memref_slice %arg6[%dma_start3A_15, %dma_start3A_17, %dma_start3A_18] : memref<8x64x128xf32, #tpu.memory_space<vmem>> -> memref<1x64x128xf32, #tpu.memory_space<vmem>>
    %dma_start3A_20 = tpu.memref_squeeze %dma_start3A_19 : memref<1x64x128xf32, #tpu.memory_space<vmem>> -> memref<64x128xf32, #tpu.memory_space<vmem>>
    %dma_start3A_21 = arith.constant 64 : i32
    %dma_start3A_22 = tpu.memref_slice %arg5[%dma_start3A_21] : memref<25600xi32, #tpu.memory_space<vmem>> -> memref<64xi32, #tpu.memory_space<vmem>>
    %dma_start3A_23 = arith.constant 0 : i32
    %dma_start3A_24 = arith.constant 0 : i32
    %dma_start3A_25 = tpu.memref_slice %arg3[%dma_start3A_23, %dma_start3A_24] : memref<1000000x128xf32, #tpu.memory_space<hbm>> -> memref<1000000x128xf32, #tpu.memory_space<hbm>>
    %dma_start3A_26 = tpu.memref_slice %arg7[%dma_start3A_16] : memref<8x!tpu.dma_semaphore, #tpu.memory_space<semaphore_mem>> -> memref<1x!tpu.dma_semaphore, #tpu.memory_space<semaphore_mem>>
    %dma_start3A_27 = tpu.memref_squeeze %dma_start3A_26 : memref<1x!tpu.dma_semaphore, #tpu.memory_space<semaphore_mem>> -> memref<!tpu.dma_semaphore, #tpu.memory_space<semaphore_mem>>
    tpu.enqueue_indirect_dma source(%dma_start3A_25 : memref<1000000x128xf32, #tpu.memory_space<hbm>>) target(%dma_start3A_20 : memref<64x128xf32, #tpu.memory_space<vmem>>) offsets(%dma_start3A_22 : memref<64xi32, #tpu.memory_space<vmem>>) semaphore(%dma_start3A_27 : memref<!tpu.dma_semaphore, #tpu.memory_space<semaphore_mem>>)
    %dma_start3A_28 = arith.constant 2 : i32
    %dma_start3A_29 = arith.constant 2 : i32
    %dma_start3A_30 = arith.constant 0 : i32
    %dma_start3A_31 = arith.constant 0 : i32
    %dma_start3A_32 = tpu.memref_slice %arg6[%dma_start3A_28, %dma_start3A_30, %dma_start3A_31] : memref<8x64x128xf32, #tpu.memory_space<vmem>> -> memref<1x64x128xf32, #tpu.memory_space<vmem>>
    %dma_start3A_33 = tpu.memref_squeeze %dma_start3A_32 : memref<1x64x128xf32, #tpu.memory_space<vmem>> -> memref<64x128xf32, #tpu.memory_space<vmem>>
    %dma_start3A_34 = arith.constant 128 : i32
    %dma_start3A_35 = tpu.memref_slice %arg5[%dma_start3A_34] : memref<25600xi32, #tpu.memory_space<vmem>> -> memref<64xi32, #tpu.memory_space<vmem>>
    %dma_start3A_36 = arith.constant 0 : i32
    %dma_start3A_37 = arith.constant 0 : i32
    %dma_start3A_38 = tpu.memref_slice %arg3[%dma_start3A_36, %dma_start3A_37] : memref<1000000x128xf32, #tpu.memory_space<hbm>> -> memref<1000000x128xf32, #tpu.memory_space<hbm>>
    %dma_start3A_39 = tpu.memref_slice %arg7[%dma_start3A_29] : memref<8x!tpu.dma_semaphore, #tpu.memory_space<semaphore_mem>> -> memref<1x!tpu.dma_semaphore, #tpu.memory_space<semaphore_mem>>
    %dma_start3A_40 = tpu.memref_squeeze %dma_start3A_39 : memref<1x!tpu.dma_semaphore, #tpu.memory_space<semaphore_mem>> -> memref<!tpu.dma_semaphore, #tpu.memory_space<semaphore_mem>>
    tpu.enqueue_indirect_dma source(%dma_start3A_38 : memref<1000000x128xf32, #tpu.memory_space<hbm>>) target(%dma_start3A_33 : memref<64x128xf32, #tpu.memory_space<vmem>>) offsets(%dma_start3A_35 : memref<64xi32, #tpu.memory_space<vmem>>) semaphore(%dma_start3A_40 : memref<!tpu.dma_semaphore, #tpu.memory_space<semaphore_mem>>)
    %dma_start3A_41 = arith.constant 3 : i32
    %dma_start3A_42 = arith.constant 3 : i32
    %dma_start3A_43 = arith.constant 0 : i32
    %dma_start3A_44 = arith.constant 0 : i32
    %dma_start3A_45 = tpu.memref_slice %arg6[%dma_start3A_41, %dma_start3A_43, %dma_start3A_44] : memref<8x64x128xf32, #tpu.memory_space<vmem>> -> memref<1x64x128xf32, #tpu.memory_space<vmem>>
    %dma_start3A_46 = tpu.memref_squeeze %dma_start3A_45 : memref<1x64x128xf32, #tpu.memory_space<vmem>> -> memref<64x128xf32, #tpu.memory_space<vmem>>
    %dma_start3A_47 = arith.constant 192 : i32
    %dma_start3A_48 = tpu.memref_slice %arg5[%dma_start3A_47] : memref<25600xi32, #tpu.memory_space<vmem>> -> memref<64xi32, #tpu.memory_space<vmem>>
    %dma_start3A_49 = arith.constant 0 : i32
    %dma_start3A_50 = arith.constant 0 : i32
    %dma_start3A_51 = tpu.memref_slice %arg3[%dma_start3A_49, %dma_start3A_50] : memref<1000000x128xf32, #tpu.memory_space<hbm>> -> memref<1000000x128xf32, #tpu.memory_space<hbm>>
    %dma_start3A_52 = tpu.memref_slice %arg7[%dma_start3A_42] : memref<8x!tpu.dma_semaphore, #tpu.memory_space<semaphore_mem>> -> memref<1x!tpu.dma_semaphore, #tpu.memory_space<semaphore_mem>>
    %dma_start3A_53 = tpu.memref_squeeze %dma_start3A_52 : memref<1x!tpu.dma_semaphore, #tpu.memory_space<semaphore_mem>> -> memref<!tpu.dma_semaphore, #tpu.memory_space<semaphore_mem>>
    tpu.enqueue_indirect_dma source(%dma_start3A_51 : memref<1000000x128xf32, #tpu.memory_space<hbm>>) target(%dma_start3A_46 : memref<64x128xf32, #tpu.memory_space<vmem>>) offsets(%dma_start3A_48 : memref<64xi32, #tpu.memory_space<vmem>>) semaphore(%dma_start3A_53 : memref<!tpu.dma_semaphore, #tpu.memory_space<semaphore_mem>>)
    %dma_start3A_54 = arith.constant 4 : i32
    %dma_start3A_55 = arith.constant 4 : i32
    %dma_start3A_56 = arith.constant 0 : i32
    %dma_start3A_57 = arith.constant 0 : i32
    %dma_start3A_58 = tpu.memref_slice %arg6[%dma_start3A_54, %dma_start3A_56, %dma_start3A_57] : memref<8x64x128xf32, #tpu.memory_space<vmem>> -> memref<1x64x128xf32, #tpu.memory_space<vmem>>
    %dma_start3A_59 = tpu.memref_squeeze %dma_start3A_58 : memref<1x64x128xf32, #tpu.memory_space<vmem>> -> memref<64x128xf32, #tpu.memory_space<vmem>>
    %dma_start3A_60 = arith.constant 256 : i32
    %dma_start3A_61 = tpu.memref_slice %arg5[%dma_start3A_60] : memref<25600xi32, #tpu.memory_space<vmem>> -> memref<64xi32, #tpu.memory_space<vmem>>
    %dma_start3A_62 = arith.constant 0 : i32
    %dma_start3A_63 = arith.constant 0 : i32
    %dma_start3A_64 = tpu.memref_slice %arg3[%dma_start3A_62, %dma_start3A_63] : memref<1000000x128xf32, #tpu.memory_space<hbm>> -> memref<1000000x128xf32, #tpu.memory_space<hbm>>
    %dma_start3A_65 = tpu.memref_slice %arg7[%dma_start3A_55] : memref<8x!tpu.dma_semaphore, #tpu.memory_space<semaphore_mem>> -> memref<1x!tpu.dma_semaphore, #tpu.memory_space<semaphore_mem>>
    %dma_start3A_66 = tpu.memref_squeeze %dma_start3A_65 : memref<1x!tpu.dma_semaphore, #tpu.memory_space<semaphore_mem>> -> memref<!tpu.dma_semaphore, #tpu.memory_space<semaphore_mem>>
    tpu.enqueue_indirect_dma source(%dma_start3A_64 : memref<1000000x128xf32, #tpu.memory_space<hbm>>) target(%dma_start3A_59 : memref<64x128xf32, #tpu.memory_space<vmem>>) offsets(%dma_start3A_61 : memref<64xi32, #tpu.memory_space<vmem>>) semaphore(%dma_start3A_66 : memref<!tpu.dma_semaphore, #tpu.memory_space<semaphore_mem>>)
    %dma_start3A_67 = arith.constant 5 : i32
    %dma_start3A_68 = arith.constant 5 : i32
    %dma_start3A_69 = arith.constant 0 : i32
    %dma_start3A_70 = arith.constant 0 : i32
    %dma_start3A_71 = tpu.memref_slice %arg6[%dma_start3A_67, %dma_start3A_69, %dma_start3A_70] : memref<8x64x128xf32, #tpu.memory_space<vmem>> -> memref<1x64x128xf32, #tpu.memory_space<vmem>>
    %dma_start3A_72 = tpu.memref_squeeze %dma_start3A_71 : memref<1x64x128xf32, #tpu.memory_space<vmem>> -> memref<64x128xf32, #tpu.memory_space<vmem>>
    %dma_start3A_73 = arith.constant 320 : i32
    %dma_start3A_74 = tpu.memref_slice %arg5[%dma_start3A_73] : memref<25600xi32, #tpu.memory_space<vmem>> -> memref<64xi32, #tpu.memory_space<vmem>>
    %dma_start3A_75 = arith.constant 0 : i32
    %dma_start3A_76 = arith.constant 0 : i32
    %dma_start3A_77 = tpu.memref_slice %arg3[%dma_start3A_75, %dma_start3A_76] : memref<1000000x128xf32, #tpu.memory_space<hbm>> -> memref<1000000x128xf32, #tpu.memory_space<hbm>>
    %dma_start3A_78 = tpu.memref_slice %arg7[%dma_start3A_68] : memref<8x!tpu.dma_semaphore, #tpu.memory_space<semaphore_mem>> -> memref<1x!tpu.dma_semaphore, #tpu.memory_space<semaphore_mem>>
    %dma_start3A_79 = tpu.memref_squeeze %dma_start3A_78 : memref<1x!tpu.dma_semaphore, #tpu.memory_space<semaphore_mem>> -> memref<!tpu.dma_semaphore, #tpu.memory_space<semaphore_mem>>
    tpu.enqueue_indirect_dma source(%dma_start3A_77 : memref<1000000x128xf32, #tpu.memory_space<hbm>>) target(%dma_start3A_72 : memref<64x128xf32, #tpu.memory_space<vmem>>) offsets(%dma_start3A_74 : memref<64xi32, #tpu.memory_space<vmem>>) semaphore(%dma_start3A_79 : memref<!tpu.dma_semaphore, #tpu.memory_space<semaphore_mem>>)
    %dma_start3A_80 = arith.constant 6 : i32
    %dma_start3A_81 = arith.constant 6 : i32
    %dma_start3A_82 = arith.constant 0 : i32
    %dma_start3A_83 = arith.constant 0 : i32
    %dma_start3A_84 = tpu.memref_slice %arg6[%dma_start3A_80, %dma_start3A_82, %dma_start3A_83] : memref<8x64x128xf32, #tpu.memory_space<vmem>> -> memref<1x64x128xf32, #tpu.memory_space<vmem>>
    %dma_start3A_85 = tpu.memref_squeeze %dma_start3A_84 : memref<1x64x128xf32, #tpu.memory_space<vmem>> -> memref<64x128xf32, #tpu.memory_space<vmem>>
    %dma_start3A_86 = arith.constant 384 : i32
    %dma_start3A_87 = tpu.memref_slice %arg5[%dma_start3A_86] : memref<25600xi32, #tpu.memory_space<vmem>> -> memref<64xi32, #tpu.memory_space<vmem>>
    %dma_start3A_88 = arith.constant 0 : i32
    %dma_start3A_89 = arith.constant 0 : i32
    %dma_start3A_90 = tpu.memref_slice %arg3[%dma_start3A_88, %dma_start3A_89] : memref<1000000x128xf32, #tpu.memory_space<hbm>> -> memref<1000000x128xf32, #tpu.memory_space<hbm>>
    %dma_start3A_91 = tpu.memref_slice %arg7[%dma_start3A_81] : memref<8x!tpu.dma_semaphore, #tpu.memory_space<semaphore_mem>> -> memref<1x!tpu.dma_semaphore, #tpu.memory_space<semaphore_mem>>
    %dma_start3A_92 = tpu.memref_squeeze %dma_start3A_91 : memref<1x!tpu.dma_semaphore, #tpu.memory_space<semaphore_mem>> -> memref<!tpu.dma_semaphore, #tpu.memory_space<semaphore_mem>>
    tpu.enqueue_indirect_dma source(%dma_start3A_90 : memref<1000000x128xf32, #tpu.memory_space<hbm>>) target(%dma_start3A_85 : memref<64x128xf32, #tpu.memory_space<vmem>>) offsets(%dma_start3A_87 : memref<64xi32, #tpu.memory_space<vmem>>) semaphore(%dma_start3A_92 : memref<!tpu.dma_semaphore, #tpu.memory_space<semaphore_mem>>)
    %dma_start3A_93 = arith.constant 7 : i32
    %dma_start3A_94 = arith.constant 7 : i32
    %dma_start3A_95 = arith.constant 0 : i32
    %dma_start3A_96 = arith.constant 0 : i32
    %dma_start3A_97 = tpu.memref_slice %arg6[%dma_start3A_93, %dma_start3A_95, %dma_start3A_96] : memref<8x64x128xf32, #tpu.memory_space<vmem>> -> memref<1x64x128xf32, #tpu.memory_space<vmem>>
    %dma_start3A_98 = tpu.memref_squeeze %dma_start3A_97 : memref<1x64x128xf32, #tpu.memory_space<vmem>> -> memref<64x128xf32, #tpu.memory_space<vmem>>
    %dma_start3A_99 = arith.constant 448 : i32
    %dma_start3A_100 = tpu.memref_slice %arg5[%dma_start3A_99] : memref<25600xi32, #tpu.memory_space<vmem>> -> memref<64xi32, #tpu.memory_space<vmem>>
    %dma_start3A_101 = arith.constant 0 : i32
    %dma_start3A_102 = arith.constant 0 : i32
    %dma_start3A_103 = tpu.memref_slice %arg3[%dma_start3A_101, %dma_start3A_102] : memref<1000000x128xf32, #tpu.memory_space<hbm>> -> memref<1000000x128xf32, #tpu.memory_space<hbm>>
    %dma_start3A_104 = tpu.memref_slice %arg7[%dma_start3A_94] : memref<8x!tpu.dma_semaphore, #tpu.memory_space<semaphore_mem>> -> memref<1x!tpu.dma_semaphore, #tpu.memory_space<semaphore_mem>>
    %dma_start3A_105 = tpu.memref_squeeze %dma_start3A_104 : memref<1x!tpu.dma_semaphore, #tpu.memory_space<semaphore_mem>> -> memref<!tpu.dma_semaphore, #tpu.memory_space<semaphore_mem>>
    tpu.enqueue_indirect_dma source(%dma_start3A_103 : memref<1000000x128xf32, #tpu.memory_space<hbm>>) target(%dma_start3A_98 : memref<64x128xf32, #tpu.memory_space<vmem>>) offsets(%dma_start3A_100 : memref<64xi32, #tpu.memory_space<vmem>>) semaphore(%dma_start3A_105 : memref<!tpu.dma_semaphore, #tpu.memory_space<semaphore_mem>>)
    %scan3A = arith.constant 0 : i32
    %scan3A_106 = arith.constant 0 : i32
    %scan3A_107 = arith.constant 50 : i32
    %scan3A_108 = arith.addi %scan3A_106, %scan3A_107 : i32
    %scan3A_109 = arith.constant 1 : i32
    scf.for %scan3A_254 = %scan3A_106 to %scan3A_108 step %scan3A_109  : i32 {
      %mul3A_255 = arith.constant 8 : i32
      %mul3A_256 = arith.muli %scan3A_254, %mul3A_255 : i32
      %add3A_257 = arith.constant 0 : i32
      %add3A_258 = arith.addi %mul3A_256, %add3A_257 : i32
      %mul3A_259 = arith.constant 64 : i32
      %mul3A_260 = arith.muli %add3A_258, %mul3A_259 : i32
      %dma_wait3A_261 = arith.constant 0 : i32
      %dma_wait3A_262 = arith.constant 0 : i32
      %dma_wait3A_263 = arith.constant 0 : i32
      %dma_wait3A_264 = arith.constant 0 : i32
      %dma_wait3A_265 = tpu.memref_slice %arg6[%dma_wait3A_261, %dma_wait3A_263, %dma_wait3A_264] : memref<8x64x128xf32, #tpu.memory_space<vmem>> -> memref<1x64x128xf32, #tpu.memory_space<vmem>>
      %dma_wait3A_266 = tpu.memref_squeeze %dma_wait3A_265 : memref<1x64x128xf32, #tpu.memory_space<vmem>> -> memref<64x128xf32, #tpu.memory_space<vmem>>
      %dma_wait3A_267 = tpu.memref_slice %arg5[%mul3A_260] : memref<25600xi32, #tpu.memory_space<vmem>> -> memref<64xi32, #tpu.memory_space<vmem>>
      %dma_wait3A_268 = arith.constant 0 : i32
      %dma_wait3A_269 = arith.constant 0 : i32
      %dma_wait3A_270 = tpu.memref_slice %arg3[%dma_wait3A_268, %dma_wait3A_269] : memref<1000000x128xf32, #tpu.memory_space<hbm>> -> memref<1000000x128xf32, #tpu.memory_space<hbm>>
      %dma_wait3A_271 = tpu.memref_slice %arg7[%dma_wait3A_262] : memref<8x!tpu.dma_semaphore, #tpu.memory_space<semaphore_mem>> -> memref<1x!tpu.dma_semaphore, #tpu.memory_space<semaphore_mem>>
      %dma_wait3A_272 = tpu.memref_squeeze %dma_wait3A_271 : memref<1x!tpu.dma_semaphore, #tpu.memory_space<semaphore_mem>> -> memref<!tpu.dma_semaphore, #tpu.memory_space<semaphore_mem>>
      tpu.wait_indirect_dma semaphore(%dma_wait3A_272 : memref<!tpu.dma_semaphore, #tpu.memory_space<semaphore_mem>>) src(%dma_wait3A_270 : memref<1000000x128xf32, #tpu.memory_space<hbm>>) dst(%dma_wait3A_266 : memref<64x128xf32, #tpu.memory_space<vmem>>)
      %mul3A_273 = arith.constant 64 : i32
      %mul3A_274 = arith.muli %add3A_258, %mul3A_273 : i32
      %add3A_275 = arith.addi %mul3A_2, %mul3A_274 : i32
      %dma_start3A_276 = arith.constant 0 : i32
      %dma_start3A_277 = arith.constant 0 : i32
      %dma_start3A_278 = arith.constant 0 : i32
      %dma_start3A_279 = arith.constant 0 : i32
      %dma_start3A_280 = tpu.memref_slice %arg6[%dma_start3A_276, %dma_start3A_278, %dma_start3A_279] : memref<8x64x128xf32, #tpu.memory_space<vmem>> -> memref<1x64x128xf32, #tpu.memory_space<vmem>>
      %dma_start3A_281 = tpu.memref_squeeze %dma_start3A_280 : memref<1x64x128xf32, #tpu.memory_space<vmem>> -> memref<64x128xf32, #tpu.memory_space<vmem>>
      %dma_start3A_282 = arith.constant 0 : i32
      %dma_start3A_283 = tpu.memref_slice %arg4[%add3A_275, %dma_start3A_282] : memref<819200x128xf32, #tpu.memory_space<hbm>> -> memref<64x128xf32, #tpu.memory_space<hbm>>
      %dma_start3A_284 = tpu.memref_slice %arg8[%dma_start3A_277] : memref<8x!tpu.dma_semaphore, #tpu.memory_space<semaphore_mem>> -> memref<1x!tpu.dma_semaphore, #tpu.memory_space<semaphore_mem>>
      %dma_start3A_285 = tpu.memref_squeeze %dma_start3A_284 : memref<1x!tpu.dma_semaphore, #tpu.memory_space<semaphore_mem>> -> memref<!tpu.dma_semaphore, #tpu.memory_space<semaphore_mem>>
      %dma_start3A_286 = arith.constant 0 : i32
      %dma_start3A_287 = tpu.memref_slice %arg4[%add3A_275, %dma_start3A_286] : memref<819200x128xf32, #tpu.memory_space<hbm>> -> memref<64x128xf32, #tpu.memory_space<hbm>>
      %dma_start3A_288 = arith.constant 0 : i32
      %dma_start3A_289 = arith.constant 0 : i32
      %dma_start3A_290 = tpu.memref_slice %arg6[%dma_start3A_276, %dma_start3A_288, %dma_start3A_289] : memref<8x64x128xf32, #tpu.memory_space<vmem>> -> memref<1x64x128xf32, #tpu.memory_space<vmem>>
      %dma_start3A_291 = tpu.memref_squeeze %dma_start3A_290 : memref<1x64x128xf32, #tpu.memory_space<vmem>> -> memref<64x128xf32, #tpu.memory_space<vmem>>
      tpu.enqueue_dma source(%dma_start3A_291 : memref<64x128xf32, #tpu.memory_space<vmem>>) target(%dma_start3A_287 : memref<64x128xf32, #tpu.memory_space<hbm>>) target_semaphore(%dma_start3A_285 : memref<!tpu.dma_semaphore, #tpu.memory_space<semaphore_mem>>)
      %add3A_292 = arith.constant 8 : i32
      %add3A_293 = arith.addi %add3A_258, %add3A_292 : i32
      %lt3A = arith.constant 400 : i32
      %lt3A_294 = arith.cmpi slt, %add3A_293, %lt3A : i32
      %convert_element_type3A = arith.extui %lt3A_294 : i1 to i32
      %cond3A = arith.constant 0 : i32
      %cond3A_295 = arith.cmpi ne, %convert_element_type3A, %cond3A : i32
      scf.if %cond3A_295 {
        %mul3A_604 = arith.constant 64 : i32
        %mul3A_605 = arith.muli %add3A_258, %mul3A_604 : i32
        %add3A_606 = arith.addi %mul3A_2, %mul3A_605 : i32
        %dma_wait3A_607 = arith.constant 0 : i32
        %dma_wait3A_608 = arith.constant 0 : i32
        %dma_wait3A_609 = arith.constant 0 : i32
        %dma_wait3A_610 = arith.constant 0 : i32
        %dma_wait3A_611 = tpu.memref_slice %arg6[%dma_wait3A_607, %dma_wait3A_609, %dma_wait3A_610] : memref<8x64x128xf32, #tpu.memory_space<vmem>> -> memref<1x64x128xf32, #tpu.memory_space<vmem>>
        %dma_wait3A_612 = tpu.memref_squeeze %dma_wait3A_611 : memref<1x64x128xf32, #tpu.memory_space<vmem>> -> memref<64x128xf32, #tpu.memory_space<vmem>>
        %dma_wait3A_613 = arith.constant 0 : i32
        %dma_wait3A_614 = tpu.memref_slice %arg4[%add3A_606, %dma_wait3A_613] : memref<819200x128xf32, #tpu.memory_space<hbm>> -> memref<64x128xf32, #tpu.memory_space<hbm>>
        %dma_wait3A_615 = tpu.memref_slice %arg8[%dma_wait3A_608] : memref<8x!tpu.dma_semaphore, #tpu.memory_space<semaphore_mem>> -> memref<1x!tpu.dma_semaphore, #tpu.memory_space<semaphore_mem>>
        %dma_wait3A_616 = tpu.memref_squeeze %dma_wait3A_615 : memref<1x!tpu.dma_semaphore, #tpu.memory_space<semaphore_mem>> -> memref<!tpu.dma_semaphore, #tpu.memory_space<semaphore_mem>>
        %dma_wait3A_617 = arith.constant 0 : i32
        %dma_wait3A_618 = tpu.memref_slice %arg4[%add3A_606, %dma_wait3A_617] : memref<819200x128xf32, #tpu.memory_space<hbm>> -> memref<64x128xf32, #tpu.memory_space<hbm>>
        %dma_wait3A_619 = arith.constant 0 : i32
        %dma_wait3A_620 = arith.constant 0 : i32
        %dma_wait3A_621 = tpu.memref_slice %arg6[%dma_wait3A_607, %dma_wait3A_619, %dma_wait3A_620] : memref<8x64x128xf32, #tpu.memory_space<vmem>> -> memref<1x64x128xf32, #tpu.memory_space<vmem>>
        %dma_wait3A_622 = tpu.memref_squeeze %dma_wait3A_621 : memref<1x64x128xf32, #tpu.memory_space<vmem>> -> memref<64x128xf32, #tpu.memory_space<vmem>>
        tpu.wait_dma2 semaphore(%dma_wait3A_616 : memref<!tpu.dma_semaphore, #tpu.memory_space<semaphore_mem>>) src(%dma_wait3A_622 : memref<64x128xf32, #tpu.memory_space<vmem>>) dst(%dma_wait3A_618 : memref<64x128xf32, #tpu.memory_space<hbm>>)
        %add3A_623 = arith.constant 8 : i32
        %add3A_624 = arith.addi %add3A_258, %add3A_623 : i32
        %mul3A_625 = arith.constant 64 : i32
        %mul3A_626 = arith.muli %add3A_624, %mul3A_625 : i32
        %dma_start3A_627 = arith.constant 0 : i32
        %dma_start3A_628 = arith.constant 0 : i32
        %dma_start3A_629 = arith.constant 0 : i32
        %dma_start3A_630 = arith.constant 0 : i32
        %dma_start3A_631 = tpu.memref_slice %arg6[%dma_start3A_627, %dma_start3A_629, %dma_start3A_630] : memref<8x64x128xf32, #tpu.memory_space<vmem>> -> memref<1x64x128xf32, #tpu.memory_space<vmem>>
        %dma_start3A_632 = tpu.memref_squeeze %dma_start3A_631 : memref<1x64x128xf32, #tpu.memory_space<vmem>> -> memref<64x128xf32, #tpu.memory_space<vmem>>
        %dma_start3A_633 = tpu.memref_slice %arg5[%mul3A_626] : memref<25600xi32, #tpu.memory_space<vmem>> -> memref<64xi32, #tpu.memory_space<vmem>>
        %dma_start3A_634 = arith.constant 0 : i32
        %dma_start3A_635 = arith.constant 0 : i32
        %dma_start3A_636 = tpu.memref_slice %arg3[%dma_start3A_634, %dma_start3A_635] : memref<1000000x128xf32, #tpu.memory_space<hbm>> -> memref<1000000x128xf32, #tpu.memory_space<hbm>>
        %dma_start3A_637 = tpu.memref_slice %arg7[%dma_start3A_628] : memref<8x!tpu.dma_semaphore, #tpu.memory_space<semaphore_mem>> -> memref<1x!tpu.dma_semaphore, #tpu.memory_space<semaphore_mem>>
        %dma_start3A_638 = tpu.memref_squeeze %dma_start3A_637 : memref<1x!tpu.dma_semaphore, #tpu.memory_space<semaphore_mem>> -> memref<!tpu.dma_semaphore, #tpu.memory_space<semaphore_mem>>
        tpu.enqueue_indirect_dma source(%dma_start3A_636 : memref<1000000x128xf32, #tpu.memory_space<hbm>>) target(%dma_start3A_632 : memref<64x128xf32, #tpu.memory_space<vmem>>) offsets(%dma_start3A_633 : memref<64xi32, #tpu.memory_space<vmem>>) semaphore(%dma_start3A_638 : memref<!tpu.dma_semaphore, #tpu.memory_space<semaphore_mem>>)
      } else {
      }
      %mul3A_296 = arith.constant 8 : i32
      %mul3A_297 = arith.muli %scan3A_254, %mul3A_296 : i32
      %add3A_298 = arith.constant 1 : i32
      %add3A_299 = arith.addi %mul3A_297, %add3A_298 : i32
      %mul3A_300 = arith.constant 64 : i32
      %mul3A_301 = arith.muli %add3A_299, %mul3A_300 : i32
      %dma_wait3A_302 = arith.constant 1 : i32
      %dma_wait3A_303 = arith.constant 1 : i32
      %dma_wait3A_304 = arith.constant 0 : i32
      %dma_wait3A_305 = arith.constant 0 : i32
      %dma_wait3A_306 = tpu.memref_slice %arg6[%dma_wait3A_302, %dma_wait3A_304, %dma_wait3A_305] : memref<8x64x128xf32, #tpu.memory_space<vmem>> -> memref<1x64x128xf32, #tpu.memory_space<vmem>>
      %dma_wait3A_307 = tpu.memref_squeeze %dma_wait3A_306 : memref<1x64x128xf32, #tpu.memory_space<vmem>> -> memref<64x128xf32, #tpu.memory_space<vmem>>
      %dma_wait3A_308 = tpu.memref_slice %arg5[%mul3A_301] : memref<25600xi32, #tpu.memory_space<vmem>> -> memref<64xi32, #tpu.memory_space<vmem>>
      %dma_wait3A_309 = arith.constant 0 : i32
      %dma_wait3A_310 = arith.constant 0 : i32
      %dma_wait3A_311 = tpu.memref_slice %arg3[%dma_wait3A_309, %dma_wait3A_310] : memref<1000000x128xf32, #tpu.memory_space<hbm>> -> memref<1000000x128xf32, #tpu.memory_space<hbm>>
      %dma_wait3A_312 = tpu.memref_slice %arg7[%dma_wait3A_303] : memref<8x!tpu.dma_semaphore, #tpu.memory_space<semaphore_mem>> -> memref<1x!tpu.dma_semaphore, #tpu.memory_space<semaphore_mem>>
      %dma_wait3A_313 = tpu.memref_squeeze %dma_wait3A_312 : memref<1x!tpu.dma_semaphore, #tpu.memory_space<semaphore_mem>> -> memref<!tpu.dma_semaphore, #tpu.memory_space<semaphore_mem>>
      tpu.wait_indirect_dma semaphore(%dma_wait3A_313 : memref<!tpu.dma_semaphore, #tpu.memory_space<semaphore_mem>>) src(%dma_wait3A_311 : memref<1000000x128xf32, #tpu.memory_space<hbm>>) dst(%dma_wait3A_307 : memref<64x128xf32, #tpu.memory_space<vmem>>)
      %mul3A_314 = arith.constant 64 : i32
      %mul3A_315 = arith.muli %add3A_299, %mul3A_314 : i32
      %add3A_316 = arith.addi %mul3A_2, %mul3A_315 : i32
      %dma_start3A_317 = arith.constant 1 : i32
      %dma_start3A_318 = arith.constant 1 : i32
      %dma_start3A_319 = arith.constant 0 : i32
      %dma_start3A_320 = arith.constant 0 : i32
      %dma_start3A_321 = tpu.memref_slice %arg6[%dma_start3A_317, %dma_start3A_319, %dma_start3A_320] : memref<8x64x128xf32, #tpu.memory_space<vmem>> -> memref<1x64x128xf32, #tpu.memory_space<vmem>>
      %dma_start3A_322 = tpu.memref_squeeze %dma_start3A_321 : memref<1x64x128xf32, #tpu.memory_space<vmem>> -> memref<64x128xf32, #tpu.memory_space<vmem>>
      %dma_start3A_323 = arith.constant 0 : i32
      %dma_start3A_324 = tpu.memref_slice %arg4[%add3A_316, %dma_start3A_323] : memref<819200x128xf32, #tpu.memory_space<hbm>> -> memref<64x128xf32, #tpu.memory_space<hbm>>
      %dma_start3A_325 = tpu.memref_slice %arg8[%dma_start3A_318] : memref<8x!tpu.dma_semaphore, #tpu.memory_space<semaphore_mem>> -> memref<1x!tpu.dma_semaphore, #tpu.memory_space<semaphore_mem>>
      %dma_start3A_326 = tpu.memref_squeeze %dma_start3A_325 : memref<1x!tpu.dma_semaphore, #tpu.memory_space<semaphore_mem>> -> memref<!tpu.dma_semaphore, #tpu.memory_space<semaphore_mem>>
      %dma_start3A_327 = arith.constant 0 : i32
      %dma_start3A_328 = tpu.memref_slice %arg4[%add3A_316, %dma_start3A_327] : memref<819200x128xf32, #tpu.memory_space<hbm>> -> memref<64x128xf32, #tpu.memory_space<hbm>>
      %dma_start3A_329 = arith.constant 0 : i32
      %dma_start3A_330 = arith.constant 0 : i32
      %dma_start3A_331 = tpu.memref_slice %arg6[%dma_start3A_317, %dma_start3A_329, %dma_start3A_330] : memref<8x64x128xf32, #tpu.memory_space<vmem>> -> memref<1x64x128xf32, #tpu.memory_space<vmem>>
      %dma_start3A_332 = tpu.memref_squeeze %dma_start3A_331 : memref<1x64x128xf32, #tpu.memory_space<vmem>> -> memref<64x128xf32, #tpu.memory_space<vmem>>
      tpu.enqueue_dma source(%dma_start3A_332 : memref<64x128xf32, #tpu.memory_space<vmem>>) target(%dma_start3A_328 : memref<64x128xf32, #tpu.memory_space<hbm>>) target_semaphore(%dma_start3A_326 : memref<!tpu.dma_semaphore, #tpu.memory_space<semaphore_mem>>)
      %add3A_333 = arith.constant 8 : i32
      %add3A_334 = arith.addi %add3A_299, %add3A_333 : i32
      %lt3A_335 = arith.constant 400 : i32
      %lt3A_336 = arith.cmpi slt, %add3A_334, %lt3A_335 : i32
      %convert_element_type3A_337 = arith.extui %lt3A_336 : i1 to i32
      %cond3A_338 = arith.constant 0 : i32
      %cond3A_339 = arith.cmpi ne, %convert_element_type3A_337, %cond3A_338 : i32
      scf.if %cond3A_339 {
        %mul3A_604 = arith.constant 64 : i32
        %mul3A_605 = arith.muli %add3A_299, %mul3A_604 : i32
        %add3A_606 = arith.addi %mul3A_2, %mul3A_605 : i32
        %dma_wait3A_607 = arith.constant 1 : i32
        %dma_wait3A_608 = arith.constant 1 : i32
        %dma_wait3A_609 = arith.constant 0 : i32
        %dma_wait3A_610 = arith.constant 0 : i32
        %dma_wait3A_611 = tpu.memref_slice %arg6[%dma_wait3A_607, %dma_wait3A_609, %dma_wait3A_610] : memref<8x64x128xf32, #tpu.memory_space<vmem>> -> memref<1x64x128xf32, #tpu.memory_space<vmem>>
        %dma_wait3A_612 = tpu.memref_squeeze %dma_wait3A_611 : memref<1x64x128xf32, #tpu.memory_space<vmem>> -> memref<64x128xf32, #tpu.memory_space<vmem>>
        %dma_wait3A_613 = arith.constant 0 : i32
        %dma_wait3A_614 = tpu.memref_slice %arg4[%add3A_606, %dma_wait3A_613] : memref<819200x128xf32, #tpu.memory_space<hbm>> -> memref<64x128xf32, #tpu.memory_space<hbm>>
        %dma_wait3A_615 = tpu.memref_slice %arg8[%dma_wait3A_608] : memref<8x!tpu.dma_semaphore, #tpu.memory_space<semaphore_mem>> -> memref<1x!tpu.dma_semaphore, #tpu.memory_space<semaphore_mem>>
        %dma_wait3A_616 = tpu.memref_squeeze %dma_wait3A_615 : memref<1x!tpu.dma_semaphore, #tpu.memory_space<semaphore_mem>> -> memref<!tpu.dma_semaphore, #tpu.memory_space<semaphore_mem>>
        %dma_wait3A_617 = arith.constant 0 : i32
        %dma_wait3A_618 = tpu.memref_slice %arg4[%add3A_606, %dma_wait3A_617] : memref<819200x128xf32, #tpu.memory_space<hbm>> -> memref<64x128xf32, #tpu.memory_space<hbm>>
        %dma_wait3A_619 = arith.constant 0 : i32
        %dma_wait3A_620 = arith.constant 0 : i32
        %dma_wait3A_621 = tpu.memref_slice %arg6[%dma_wait3A_607, %dma_wait3A_619, %dma_wait3A_620] : memref<8x64x128xf32, #tpu.memory_space<vmem>> -> memref<1x64x128xf32, #tpu.memory_space<vmem>>
        %dma_wait3A_622 = tpu.memref_squeeze %dma_wait3A_621 : memref<1x64x128xf32, #tpu.memory_space<vmem>> -> memref<64x128xf32, #tpu.memory_space<vmem>>
        tpu.wait_dma2 semaphore(%dma_wait3A_616 : memref<!tpu.dma_semaphore, #tpu.memory_space<semaphore_mem>>) src(%dma_wait3A_622 : memref<64x128xf32, #tpu.memory_space<vmem>>) dst(%dma_wait3A_618 : memref<64x128xf32, #tpu.memory_space<hbm>>)
        %add3A_623 = arith.constant 8 : i32
        %add3A_624 = arith.addi %add3A_299, %add3A_623 : i32
        %mul3A_625 = arith.constant 64 : i32
        %mul3A_626 = arith.muli %add3A_624, %mul3A_625 : i32
        %dma_start3A_627 = arith.constant 1 : i32
        %dma_start3A_628 = arith.constant 1 : i32
        %dma_start3A_629 = arith.constant 0 : i32
        %dma_start3A_630 = arith.constant 0 : i32
        %dma_start3A_631 = tpu.memref_slice %arg6[%dma_start3A_627, %dma_start3A_629, %dma_start3A_630] : memref<8x64x128xf32, #tpu.memory_space<vmem>> -> memref<1x64x128xf32, #tpu.memory_space<vmem>>
        %dma_start3A_632 = tpu.memref_squeeze %dma_start3A_631 : memref<1x64x128xf32, #tpu.memory_space<vmem>> -> memref<64x128xf32, #tpu.memory_space<vmem>>
        %dma_start3A_633 = tpu.memref_slice %arg5[%mul3A_626] : memref<25600xi32, #tpu.memory_space<vmem>> -> memref<64xi32, #tpu.memory_space<vmem>>
        %dma_start3A_634 = arith.constant 0 : i32
        %dma_start3A_635 = arith.constant 0 : i32
        %dma_start3A_636 = tpu.memref_slice %arg3[%dma_start3A_634, %dma_start3A_635] : memref<1000000x128xf32, #tpu.memory_space<hbm>> -> memref<1000000x128xf32, #tpu.memory_space<hbm>>
        %dma_start3A_637 = tpu.memref_slice %arg7[%dma_start3A_628] : memref<8x!tpu.dma_semaphore, #tpu.memory_space<semaphore_mem>> -> memref<1x!tpu.dma_semaphore, #tpu.memory_space<semaphore_mem>>
        %dma_start3A_638 = tpu.memref_squeeze %dma_start3A_637 : memref<1x!tpu.dma_semaphore, #tpu.memory_space<semaphore_mem>> -> memref<!tpu.dma_semaphore, #tpu.memory_space<semaphore_mem>>
        tpu.enqueue_indirect_dma source(%dma_start3A_636 : memref<1000000x128xf32, #tpu.memory_space<hbm>>) target(%dma_start3A_632 : memref<64x128xf32, #tpu.memory_space<vmem>>) offsets(%dma_start3A_633 : memref<64xi32, #tpu.memory_space<vmem>>) semaphore(%dma_start3A_638 : memref<!tpu.dma_semaphore, #tpu.memory_space<semaphore_mem>>)
      } else {
      }
      %mul3A_340 = arith.constant 8 : i32
      %mul3A_341 = arith.muli %scan3A_254, %mul3A_340 : i32
      %add3A_342 = arith.constant 2 : i32
      %add3A_343 = arith.addi %mul3A_341, %add3A_342 : i32
      %mul3A_344 = arith.constant 64 : i32
      %mul3A_345 = arith.muli %add3A_343, %mul3A_344 : i32
      %dma_wait3A_346 = arith.constant 2 : i32
      %dma_wait3A_347 = arith.constant 2 : i32
      %dma_wait3A_348 = arith.constant 0 : i32
      %dma_wait3A_349 = arith.constant 0 : i32
      %dma_wait3A_350 = tpu.memref_slice %arg6[%dma_wait3A_346, %dma_wait3A_348, %dma_wait3A_349] : memref<8x64x128xf32, #tpu.memory_space<vmem>> -> memref<1x64x128xf32, #tpu.memory_space<vmem>>
      %dma_wait3A_351 = tpu.memref_squeeze %dma_wait3A_350 : memref<1x64x128xf32, #tpu.memory_space<vmem>> -> memref<64x128xf32, #tpu.memory_space<vmem>>
      %dma_wait3A_352 = tpu.memref_slice %arg5[%mul3A_345] : memref<25600xi32, #tpu.memory_space<vmem>> -> memref<64xi32, #tpu.memory_space<vmem>>
      %dma_wait3A_353 = arith.constant 0 : i32
      %dma_wait3A_354 = arith.constant 0 : i32
      %dma_wait3A_355 = tpu.memref_slice %arg3[%dma_wait3A_353, %dma_wait3A_354] : memref<1000000x128xf32, #tpu.memory_space<hbm>> -> memref<1000000x128xf32, #tpu.memory_space<hbm>>
      %dma_wait3A_356 = tpu.memref_slice %arg7[%dma_wait3A_347] : memref<8x!tpu.dma_semaphore, #tpu.memory_space<semaphore_mem>> -> memref<1x!tpu.dma_semaphore, #tpu.memory_space<semaphore_mem>>
      %dma_wait3A_357 = tpu.memref_squeeze %dma_wait3A_356 : memref<1x!tpu.dma_semaphore, #tpu.memory_space<semaphore_mem>> -> memref<!tpu.dma_semaphore, #tpu.memory_space<semaphore_mem>>
      tpu.wait_indirect_dma semaphore(%dma_wait3A_357 : memref<!tpu.dma_semaphore, #tpu.memory_space<semaphore_mem>>) src(%dma_wait3A_355 : memref<1000000x128xf32, #tpu.memory_space<hbm>>) dst(%dma_wait3A_351 : memref<64x128xf32, #tpu.memory_space<vmem>>)
      %mul3A_358 = arith.constant 64 : i32
      %mul3A_359 = arith.muli %add3A_343, %mul3A_358 : i32
      %add3A_360 = arith.addi %mul3A_2, %mul3A_359 : i32
      %dma_start3A_361 = arith.constant 2 : i32
      %dma_start3A_362 = arith.constant 2 : i32
      %dma_start3A_363 = arith.constant 0 : i32
      %dma_start3A_364 = arith.constant 0 : i32
      %dma_start3A_365 = tpu.memref_slice %arg6[%dma_start3A_361, %dma_start3A_363, %dma_start3A_364] : memref<8x64x128xf32, #tpu.memory_space<vmem>> -> memref<1x64x128xf32, #tpu.memory_space<vmem>>
      %dma_start3A_366 = tpu.memref_squeeze %dma_start3A_365 : memref<1x64x128xf32, #tpu.memory_space<vmem>> -> memref<64x128xf32, #tpu.memory_space<vmem>>
      %dma_start3A_367 = arith.constant 0 : i32
      %dma_start3A_368 = tpu.memref_slice %arg4[%add3A_360, %dma_start3A_367] : memref<819200x128xf32, #tpu.memory_space<hbm>> -> memref<64x128xf32, #tpu.memory_space<hbm>>
      %dma_start3A_369 = tpu.memref_slice %arg8[%dma_start3A_362] : memref<8x!tpu.dma_semaphore, #tpu.memory_space<semaphore_mem>> -> memref<1x!tpu.dma_semaphore, #tpu.memory_space<semaphore_mem>>
      %dma_start3A_370 = tpu.memref_squeeze %dma_start3A_369 : memref<1x!tpu.dma_semaphore, #tpu.memory_space<semaphore_mem>> -> memref<!tpu.dma_semaphore, #tpu.memory_space<semaphore_mem>>
      %dma_start3A_371 = arith.constant 0 : i32
      %dma_start3A_372 = tpu.memref_slice %arg4[%add3A_360, %dma_start3A_371] : memref<819200x128xf32, #tpu.memory_space<hbm>> -> memref<64x128xf32, #tpu.memory_space<hbm>>
      %dma_start3A_373 = arith.constant 0 : i32
      %dma_start3A_374 = arith.constant 0 : i32
      %dma_start3A_375 = tpu.memref_slice %arg6[%dma_start3A_361, %dma_start3A_373, %dma_start3A_374] : memref<8x64x128xf32, #tpu.memory_space<vmem>> -> memref<1x64x128xf32, #tpu.memory_space<vmem>>
      %dma_start3A_376 = tpu.memref_squeeze %dma_start3A_375 : memref<1x64x128xf32, #tpu.memory_space<vmem>> -> memref<64x128xf32, #tpu.memory_space<vmem>>
      tpu.enqueue_dma source(%dma_start3A_376 : memref<64x128xf32, #tpu.memory_space<vmem>>) target(%dma_start3A_372 : memref<64x128xf32, #tpu.memory_space<hbm>>) target_semaphore(%dma_start3A_370 : memref<!tpu.dma_semaphore, #tpu.memory_space<semaphore_mem>>)
      %add3A_377 = arith.constant 8 : i32
      %add3A_378 = arith.addi %add3A_343, %add3A_377 : i32
      %lt3A_379 = arith.constant 400 : i32
      %lt3A_380 = arith.cmpi slt, %add3A_378, %lt3A_379 : i32
      %convert_element_type3A_381 = arith.extui %lt3A_380 : i1 to i32
      %cond3A_382 = arith.constant 0 : i32
      %cond3A_383 = arith.cmpi ne, %convert_element_type3A_381, %cond3A_382 : i32
      scf.if %cond3A_383 {
        %mul3A_604 = arith.constant 64 : i32
        %mul3A_605 = arith.muli %add3A_343, %mul3A_604 : i32
        %add3A_606 = arith.addi %mul3A_2, %mul3A_605 : i32
        %dma_wait3A_607 = arith.constant 2 : i32
        %dma_wait3A_608 = arith.constant 2 : i32
        %dma_wait3A_609 = arith.constant 0 : i32
        %dma_wait3A_610 = arith.constant 0 : i32
        %dma_wait3A_611 = tpu.memref_slice %arg6[%dma_wait3A_607, %dma_wait3A_609, %dma_wait3A_610] : memref<8x64x128xf32, #tpu.memory_space<vmem>> -> memref<1x64x128xf32, #tpu.memory_space<vmem>>
        %dma_wait3A_612 = tpu.memref_squeeze %dma_wait3A_611 : memref<1x64x128xf32, #tpu.memory_space<vmem>> -> memref<64x128xf32, #tpu.memory_space<vmem>>
        %dma_wait3A_613 = arith.constant 0 : i32
        %dma_wait3A_614 = tpu.memref_slice %arg4[%add3A_606, %dma_wait3A_613] : memref<819200x128xf32, #tpu.memory_space<hbm>> -> memref<64x128xf32, #tpu.memory_space<hbm>>
        %dma_wait3A_615 = tpu.memref_slice %arg8[%dma_wait3A_608] : memref<8x!tpu.dma_semaphore, #tpu.memory_space<semaphore_mem>> -> memref<1x!tpu.dma_semaphore, #tpu.memory_space<semaphore_mem>>
        %dma_wait3A_616 = tpu.memref_squeeze %dma_wait3A_615 : memref<1x!tpu.dma_semaphore, #tpu.memory_space<semaphore_mem>> -> memref<!tpu.dma_semaphore, #tpu.memory_space<semaphore_mem>>
        %dma_wait3A_617 = arith.constant 0 : i32
        %dma_wait3A_618 = tpu.memref_slice %arg4[%add3A_606, %dma_wait3A_617] : memref<819200x128xf32, #tpu.memory_space<hbm>> -> memref<64x128xf32, #tpu.memory_space<hbm>>
        %dma_wait3A_619 = arith.constant 0 : i32
        %dma_wait3A_620 = arith.constant 0 : i32
        %dma_wait3A_621 = tpu.memref_slice %arg6[%dma_wait3A_607, %dma_wait3A_619, %dma_wait3A_620] : memref<8x64x128xf32, #tpu.memory_space<vmem>> -> memref<1x64x128xf32, #tpu.memory_space<vmem>>
        %dma_wait3A_622 = tpu.memref_squeeze %dma_wait3A_621 : memref<1x64x128xf32, #tpu.memory_space<vmem>> -> memref<64x128xf32, #tpu.memory_space<vmem>>
        tpu.wait_dma2 semaphore(%dma_wait3A_616 : memref<!tpu.dma_semaphore, #tpu.memory_space<semaphore_mem>>) src(%dma_wait3A_622 : memref<64x128xf32, #tpu.memory_space<vmem>>) dst(%dma_wait3A_618 : memref<64x128xf32, #tpu.memory_space<hbm>>)
        %add3A_623 = arith.constant 8 : i32
        %add3A_624 = arith.addi %add3A_343, %add3A_623 : i32
        %mul3A_625 = arith.constant 64 : i32
        %mul3A_626 = arith.muli %add3A_624, %mul3A_625 : i32
        %dma_start3A_627 = arith.constant 2 : i32
        %dma_start3A_628 = arith.constant 2 : i32
        %dma_start3A_629 = arith.constant 0 : i32
        %dma_start3A_630 = arith.constant 0 : i32
        %dma_start3A_631 = tpu.memref_slice %arg6[%dma_start3A_627, %dma_start3A_629, %dma_start3A_630] : memref<8x64x128xf32, #tpu.memory_space<vmem>> -> memref<1x64x128xf32, #tpu.memory_space<vmem>>
        %dma_start3A_632 = tpu.memref_squeeze %dma_start3A_631 : memref<1x64x128xf32, #tpu.memory_space<vmem>> -> memref<64x128xf32, #tpu.memory_space<vmem>>
        %dma_start3A_633 = tpu.memref_slice %arg5[%mul3A_626] : memref<25600xi32, #tpu.memory_space<vmem>> -> memref<64xi32, #tpu.memory_space<vmem>>
        %dma_start3A_634 = arith.constant 0 : i32
        %dma_start3A_635 = arith.constant 0 : i32
        %dma_start3A_636 = tpu.memref_slice %arg3[%dma_start3A_634, %dma_start3A_635] : memref<1000000x128xf32, #tpu.memory_space<hbm>> -> memref<1000000x128xf32, #tpu.memory_space<hbm>>
        %dma_start3A_637 = tpu.memref_slice %arg7[%dma_start3A_628] : memref<8x!tpu.dma_semaphore, #tpu.memory_space<semaphore_mem>> -> memref<1x!tpu.dma_semaphore, #tpu.memory_space<semaphore_mem>>
        %dma_start3A_638 = tpu.memref_squeeze %dma_start3A_637 : memref<1x!tpu.dma_semaphore, #tpu.memory_space<semaphore_mem>> -> memref<!tpu.dma_semaphore, #tpu.memory_space<semaphore_mem>>
        tpu.enqueue_indirect_dma source(%dma_start3A_636 : memref<1000000x128xf32, #tpu.memory_space<hbm>>) target(%dma_start3A_632 : memref<64x128xf32, #tpu.memory_space<vmem>>) offsets(%dma_start3A_633 : memref<64xi32, #tpu.memory_space<vmem>>) semaphore(%dma_start3A_638 : memref<!tpu.dma_semaphore, #tpu.memory_space<semaphore_mem>>)
      } else {
      }
      %mul3A_384 = arith.constant 8 : i32
      %mul3A_385 = arith.muli %scan3A_254, %mul3A_384 : i32
      %add3A_386 = arith.constant 3 : i32
      %add3A_387 = arith.addi %mul3A_385, %add3A_386 : i32
      %mul3A_388 = arith.constant 64 : i32
      %mul3A_389 = arith.muli %add3A_387, %mul3A_388 : i32
      %dma_wait3A_390 = arith.constant 3 : i32
      %dma_wait3A_391 = arith.constant 3 : i32
      %dma_wait3A_392 = arith.constant 0 : i32
      %dma_wait3A_393 = arith.constant 0 : i32
      %dma_wait3A_394 = tpu.memref_slice %arg6[%dma_wait3A_390, %dma_wait3A_392, %dma_wait3A_393] : memref<8x64x128xf32, #tpu.memory_space<vmem>> -> memref<1x64x128xf32, #tpu.memory_space<vmem>>
      %dma_wait3A_395 = tpu.memref_squeeze %dma_wait3A_394 : memref<1x64x128xf32, #tpu.memory_space<vmem>> -> memref<64x128xf32, #tpu.memory_space<vmem>>
      %dma_wait3A_396 = tpu.memref_slice %arg5[%mul3A_389] : memref<25600xi32, #tpu.memory_space<vmem>> -> memref<64xi32, #tpu.memory_space<vmem>>
      %dma_wait3A_397 = arith.constant 0 : i32
      %dma_wait3A_398 = arith.constant 0 : i32
      %dma_wait3A_399 = tpu.memref_slice %arg3[%dma_wait3A_397, %dma_wait3A_398] : memref<1000000x128xf32, #tpu.memory_space<hbm>> -> memref<1000000x128xf32, #tpu.memory_space<hbm>>
      %dma_wait3A_400 = tpu.memref_slice %arg7[%dma_wait3A_391] : memref<8x!tpu.dma_semaphore, #tpu.memory_space<semaphore_mem>> -> memref<1x!tpu.dma_semaphore, #tpu.memory_space<semaphore_mem>>
      %dma_wait3A_401 = tpu.memref_squeeze %dma_wait3A_400 : memref<1x!tpu.dma_semaphore, #tpu.memory_space<semaphore_mem>> -> memref<!tpu.dma_semaphore, #tpu.memory_space<semaphore_mem>>
      tpu.wait_indirect_dma semaphore(%dma_wait3A_401 : memref<!tpu.dma_semaphore, #tpu.memory_space<semaphore_mem>>) src(%dma_wait3A_399 : memref<1000000x128xf32, #tpu.memory_space<hbm>>) dst(%dma_wait3A_395 : memref<64x128xf32, #tpu.memory_space<vmem>>)
      %mul3A_402 = arith.constant 64 : i32
      %mul3A_403 = arith.muli %add3A_387, %mul3A_402 : i32
      %add3A_404 = arith.addi %mul3A_2, %mul3A_403 : i32
      %dma_start3A_405 = arith.constant 3 : i32
      %dma_start3A_406 = arith.constant 3 : i32
      %dma_start3A_407 = arith.constant 0 : i32
      %dma_start3A_408 = arith.constant 0 : i32
      %dma_start3A_409 = tpu.memref_slice %arg6[%dma_start3A_405, %dma_start3A_407, %dma_start3A_408] : memref<8x64x128xf32, #tpu.memory_space<vmem>> -> memref<1x64x128xf32, #tpu.memory_space<vmem>>
      %dma_start3A_410 = tpu.memref_squeeze %dma_start3A_409 : memref<1x64x128xf32, #tpu.memory_space<vmem>> -> memref<64x128xf32, #tpu.memory_space<vmem>>
      %dma_start3A_411 = arith.constant 0 : i32
      %dma_start3A_412 = tpu.memref_slice %arg4[%add3A_404, %dma_start3A_411] : memref<819200x128xf32, #tpu.memory_space<hbm>> -> memref<64x128xf32, #tpu.memory_space<hbm>>
      %dma_start3A_413 = tpu.memref_slice %arg8[%dma_start3A_406] : memref<8x!tpu.dma_semaphore, #tpu.memory_space<semaphore_mem>> -> memref<1x!tpu.dma_semaphore, #tpu.memory_space<semaphore_mem>>
      %dma_start3A_414 = tpu.memref_squeeze %dma_start3A_413 : memref<1x!tpu.dma_semaphore, #tpu.memory_space<semaphore_mem>> -> memref<!tpu.dma_semaphore, #tpu.memory_space<semaphore_mem>>
      %dma_start3A_415 = arith.constant 0 : i32
      %dma_start3A_416 = tpu.memref_slice %arg4[%add3A_404, %dma_start3A_415] : memref<819200x128xf32, #tpu.memory_space<hbm>> -> memref<64x128xf32, #tpu.memory_space<hbm>>
      %dma_start3A_417 = arith.constant 0 : i32
      %dma_start3A_418 = arith.constant 0 : i32
      %dma_start3A_419 = tpu.memref_slice %arg6[%dma_start3A_405, %dma_start3A_417, %dma_start3A_418] : memref<8x64x128xf32, #tpu.memory_space<vmem>> -> memref<1x64x128xf32, #tpu.memory_space<vmem>>
      %dma_start3A_420 = tpu.memref_squeeze %dma_start3A_419 : memref<1x64x128xf32, #tpu.memory_space<vmem>> -> memref<64x128xf32, #tpu.memory_space<vmem>>
      tpu.enqueue_dma source(%dma_start3A_420 : memref<64x128xf32, #tpu.memory_space<vmem>>) target(%dma_start3A_416 : memref<64x128xf32, #tpu.memory_space<hbm>>) target_semaphore(%dma_start3A_414 : memref<!tpu.dma_semaphore, #tpu.memory_space<semaphore_mem>>)
      %add3A_421 = arith.constant 8 : i32
      %add3A_422 = arith.addi %add3A_387, %add3A_421 : i32
      %lt3A_423 = arith.constant 400 : i32
      %lt3A_424 = arith.cmpi slt, %add3A_422, %lt3A_423 : i32
      %convert_element_type3A_425 = arith.extui %lt3A_424 : i1 to i32
      %cond3A_426 = arith.constant 0 : i32
      %cond3A_427 = arith.cmpi ne, %convert_element_type3A_425, %cond3A_426 : i32
      scf.if %cond3A_427 {
        %mul3A_604 = arith.constant 64 : i32
        %mul3A_605 = arith.muli %add3A_387, %mul3A_604 : i32
        %add3A_606 = arith.addi %mul3A_2, %mul3A_605 : i32
        %dma_wait3A_607 = arith.constant 3 : i32
        %dma_wait3A_608 = arith.constant 3 : i32
        %dma_wait3A_609 = arith.constant 0 : i32
        %dma_wait3A_610 = arith.constant 0 : i32
        %dma_wait3A_611 = tpu.memref_slice %arg6[%dma_wait3A_607, %dma_wait3A_609, %dma_wait3A_610] : memref<8x64x128xf32, #tpu.memory_space<vmem>> -> memref<1x64x128xf32, #tpu.memory_space<vmem>>
        %dma_wait3A_612 = tpu.memref_squeeze %dma_wait3A_611 : memref<1x64x128xf32, #tpu.memory_space<vmem>> -> memref<64x128xf32, #tpu.memory_space<vmem>>
        %dma_wait3A_613 = arith.constant 0 : i32
        %dma_wait3A_614 = tpu.memref_slice %arg4[%add3A_606, %dma_wait3A_613] : memref<819200x128xf32, #tpu.memory_space<hbm>> -> memref<64x128xf32, #tpu.memory_space<hbm>>
        %dma_wait3A_615 = tpu.memref_slice %arg8[%dma_wait3A_608] : memref<8x!tpu.dma_semaphore, #tpu.memory_space<semaphore_mem>> -> memref<1x!tpu.dma_semaphore, #tpu.memory_space<semaphore_mem>>
        %dma_wait3A_616 = tpu.memref_squeeze %dma_wait3A_615 : memref<1x!tpu.dma_semaphore, #tpu.memory_space<semaphore_mem>> -> memref<!tpu.dma_semaphore, #tpu.memory_space<semaphore_mem>>
        %dma_wait3A_617 = arith.constant 0 : i32
        %dma_wait3A_618 = tpu.memref_slice %arg4[%add3A_606, %dma_wait3A_617] : memref<819200x128xf32, #tpu.memory_space<hbm>> -> memref<64x128xf32, #tpu.memory_space<hbm>>
        %dma_wait3A_619 = arith.constant 0 : i32
        %dma_wait3A_620 = arith.constant 0 : i32
        %dma_wait3A_621 = tpu.memref_slice %arg6[%dma_wait3A_607, %dma_wait3A_619, %dma_wait3A_620] : memref<8x64x128xf32, #tpu.memory_space<vmem>> -> memref<1x64x128xf32, #tpu.memory_space<vmem>>
        %dma_wait3A_622 = tpu.memref_squeeze %dma_wait3A_621 : memref<1x64x128xf32, #tpu.memory_space<vmem>> -> memref<64x128xf32, #tpu.memory_space<vmem>>
        tpu.wait_dma2 semaphore(%dma_wait3A_616 : memref<!tpu.dma_semaphore, #tpu.memory_space<semaphore_mem>>) src(%dma_wait3A_622 : memref<64x128xf32, #tpu.memory_space<vmem>>) dst(%dma_wait3A_618 : memref<64x128xf32, #tpu.memory_space<hbm>>)
        %add3A_623 = arith.constant 8 : i32
        %add3A_624 = arith.addi %add3A_387, %add3A_623 : i32
        %mul3A_625 = arith.constant 64 : i32
        %mul3A_626 = arith.muli %add3A_624, %mul3A_625 : i32
        %dma_start3A_627 = arith.constant 3 : i32
        %dma_start3A_628 = arith.constant 3 : i32
        %dma_start3A_629 = arith.constant 0 : i32
        %dma_start3A_630 = arith.constant 0 : i32
        %dma_start3A_631 = tpu.memref_slice %arg6[%dma_start3A_627, %dma_start3A_629, %dma_start3A_630] : memref<8x64x128xf32, #tpu.memory_space<vmem>> -> memref<1x64x128xf32, #tpu.memory_space<vmem>>
        %dma_start3A_632 = tpu.memref_squeeze %dma_start3A_631 : memref<1x64x128xf32, #tpu.memory_space<vmem>> -> memref<64x128xf32, #tpu.memory_space<vmem>>
        %dma_start3A_633 = tpu.memref_slice %arg5[%mul3A_626] : memref<25600xi32, #tpu.memory_space<vmem>> -> memref<64xi32, #tpu.memory_space<vmem>>
        %dma_start3A_634 = arith.constant 0 : i32
        %dma_start3A_635 = arith.constant 0 : i32
        %dma_start3A_636 = tpu.memref_slice %arg3[%dma_start3A_634, %dma_start3A_635] : memref<1000000x128xf32, #tpu.memory_space<hbm>> -> memref<1000000x128xf32, #tpu.memory_space<hbm>>
        %dma_start3A_637 = tpu.memref_slice %arg7[%dma_start3A_628] : memref<8x!tpu.dma_semaphore, #tpu.memory_space<semaphore_mem>> -> memref<1x!tpu.dma_semaphore, #tpu.memory_space<semaphore_mem>>
        %dma_start3A_638 = tpu.memref_squeeze %dma_start3A_637 : memref<1x!tpu.dma_semaphore, #tpu.memory_space<semaphore_mem>> -> memref<!tpu.dma_semaphore, #tpu.memory_space<semaphore_mem>>
        tpu.enqueue_indirect_dma source(%dma_start3A_636 : memref<1000000x128xf32, #tpu.memory_space<hbm>>) target(%dma_start3A_632 : memref<64x128xf32, #tpu.memory_space<vmem>>) offsets(%dma_start3A_633 : memref<64xi32, #tpu.memory_space<vmem>>) semaphore(%dma_start3A_638 : memref<!tpu.dma_semaphore, #tpu.memory_space<semaphore_mem>>)
      } else {
      }
      %mul3A_428 = arith.constant 8 : i32
      %mul3A_429 = arith.muli %scan3A_254, %mul3A_428 : i32
      %add3A_430 = arith.constant 4 : i32
      %add3A_431 = arith.addi %mul3A_429, %add3A_430 : i32
      %mul3A_432 = arith.constant 64 : i32
      %mul3A_433 = arith.muli %add3A_431, %mul3A_432 : i32
      %dma_wait3A_434 = arith.constant 4 : i32
      %dma_wait3A_435 = arith.constant 4 : i32
      %dma_wait3A_436 = arith.constant 0 : i32
      %dma_wait3A_437 = arith.constant 0 : i32
      %dma_wait3A_438 = tpu.memref_slice %arg6[%dma_wait3A_434, %dma_wait3A_436, %dma_wait3A_437] : memref<8x64x128xf32, #tpu.memory_space<vmem>> -> memref<1x64x128xf32, #tpu.memory_space<vmem>>
      %dma_wait3A_439 = tpu.memref_squeeze %dma_wait3A_438 : memref<1x64x128xf32, #tpu.memory_space<vmem>> -> memref<64x128xf32, #tpu.memory_space<vmem>>
      %dma_wait3A_440 = tpu.memref_slice %arg5[%mul3A_433] : memref<25600xi32, #tpu.memory_space<vmem>> -> memref<64xi32, #tpu.memory_space<vmem>>
      %dma_wait3A_441 = arith.constant 0 : i32
      %dma_wait3A_442 = arith.constant 0 : i32
      %dma_wait3A_443 = tpu.memref_slice %arg3[%dma_wait3A_441, %dma_wait3A_442] : memref<1000000x128xf32, #tpu.memory_space<hbm>> -> memref<1000000x128xf32, #tpu.memory_space<hbm>>
      %dma_wait3A_444 = tpu.memref_slice %arg7[%dma_wait3A_435] : memref<8x!tpu.dma_semaphore, #tpu.memory_space<semaphore_mem>> -> memref<1x!tpu.dma_semaphore, #tpu.memory_space<semaphore_mem>>
      %dma_wait3A_445 = tpu.memref_squeeze %dma_wait3A_444 : memref<1x!tpu.dma_semaphore, #tpu.memory_space<semaphore_mem>> -> memref<!tpu.dma_semaphore, #tpu.memory_space<semaphore_mem>>
      tpu.wait_indirect_dma semaphore(%dma_wait3A_445 : memref<!tpu.dma_semaphore, #tpu.memory_space<semaphore_mem>>) src(%dma_wait3A_443 : memref<1000000x128xf32, #tpu.memory_space<hbm>>) dst(%dma_wait3A_439 : memref<64x128xf32, #tpu.memory_space<vmem>>)
      %mul3A_446 = arith.constant 64 : i32
      %mul3A_447 = arith.muli %add3A_431, %mul3A_446 : i32
      %add3A_448 = arith.addi %mul3A_2, %mul3A_447 : i32
      %dma_start3A_449 = arith.constant 4 : i32
      %dma_start3A_450 = arith.constant 4 : i32
      %dma_start3A_451 = arith.constant 0 : i32
      %dma_start3A_452 = arith.constant 0 : i32
      %dma_start3A_453 = tpu.memref_slice %arg6[%dma_start3A_449, %dma_start3A_451, %dma_start3A_452] : memref<8x64x128xf32, #tpu.memory_space<vmem>> -> memref<1x64x128xf32, #tpu.memory_space<vmem>>
      %dma_start3A_454 = tpu.memref_squeeze %dma_start3A_453 : memref<1x64x128xf32, #tpu.memory_space<vmem>> -> memref<64x128xf32, #tpu.memory_space<vmem>>
      %dma_start3A_455 = arith.constant 0 : i32
      %dma_start3A_456 = tpu.memref_slice %arg4[%add3A_448, %dma_start3A_455] : memref<819200x128xf32, #tpu.memory_space<hbm>> -> memref<64x128xf32, #tpu.memory_space<hbm>>
      %dma_start3A_457 = tpu.memref_slice %arg8[%dma_start3A_450] : memref<8x!tpu.dma_semaphore, #tpu.memory_space<semaphore_mem>> -> memref<1x!tpu.dma_semaphore, #tpu.memory_space<semaphore_mem>>
      %dma_start3A_458 = tpu.memref_squeeze %dma_start3A_457 : memref<1x!tpu.dma_semaphore, #tpu.memory_space<semaphore_mem>> -> memref<!tpu.dma_semaphore, #tpu.memory_space<semaphore_mem>>
      %dma_start3A_459 = arith.constant 0 : i32
      %dma_start3A_460 = tpu.memref_slice %arg4[%add3A_448, %dma_start3A_459] : memref<819200x128xf32, #tpu.memory_space<hbm>> -> memref<64x128xf32, #tpu.memory_space<hbm>>
      %dma_start3A_461 = arith.constant 0 : i32
      %dma_start3A_462 = arith.constant 0 : i32
      %dma_start3A_463 = tpu.memref_slice %arg6[%dma_start3A_449, %dma_start3A_461, %dma_start3A_462] : memref<8x64x128xf32, #tpu.memory_space<vmem>> -> memref<1x64x128xf32, #tpu.memory_space<vmem>>
      %dma_start3A_464 = tpu.memref_squeeze %dma_start3A_463 : memref<1x64x128xf32, #tpu.memory_space<vmem>> -> memref<64x128xf32, #tpu.memory_space<vmem>>
      tpu.enqueue_dma source(%dma_start3A_464 : memref<64x128xf32, #tpu.memory_space<vmem>>) target(%dma_start3A_460 : memref<64x128xf32, #tpu.memory_space<hbm>>) target_semaphore(%dma_start3A_458 : memref<!tpu.dma_semaphore, #tpu.memory_space<semaphore_mem>>)
      %add3A_465 = arith.constant 8 : i32
      %add3A_466 = arith.addi %add3A_431, %add3A_465 : i32
      %lt3A_467 = arith.constant 400 : i32
      %lt3A_468 = arith.cmpi slt, %add3A_466, %lt3A_467 : i32
      %convert_element_type3A_469 = arith.extui %lt3A_468 : i1 to i32
      %cond3A_470 = arith.constant 0 : i32
      %cond3A_471 = arith.cmpi ne, %convert_element_type3A_469, %cond3A_470 : i32
      scf.if %cond3A_471 {
        %mul3A_604 = arith.constant 64 : i32
        %mul3A_605 = arith.muli %add3A_431, %mul3A_604 : i32
        %add3A_606 = arith.addi %mul3A_2, %mul3A_605 : i32
        %dma_wait3A_607 = arith.constant 4 : i32
        %dma_wait3A_608 = arith.constant 4 : i32
        %dma_wait3A_609 = arith.constant 0 : i32
        %dma_wait3A_610 = arith.constant 0 : i32
        %dma_wait3A_611 = tpu.memref_slice %arg6[%dma_wait3A_607, %dma_wait3A_609, %dma_wait3A_610] : memref<8x64x128xf32, #tpu.memory_space<vmem>> -> memref<1x64x128xf32, #tpu.memory_space<vmem>>
        %dma_wait3A_612 = tpu.memref_squeeze %dma_wait3A_611 : memref<1x64x128xf32, #tpu.memory_space<vmem>> -> memref<64x128xf32, #tpu.memory_space<vmem>>
        %dma_wait3A_613 = arith.constant 0 : i32
        %dma_wait3A_614 = tpu.memref_slice %arg4[%add3A_606, %dma_wait3A_613] : memref<819200x128xf32, #tpu.memory_space<hbm>> -> memref<64x128xf32, #tpu.memory_space<hbm>>
        %dma_wait3A_615 = tpu.memref_slice %arg8[%dma_wait3A_608] : memref<8x!tpu.dma_semaphore, #tpu.memory_space<semaphore_mem>> -> memref<1x!tpu.dma_semaphore, #tpu.memory_space<semaphore_mem>>
        %dma_wait3A_616 = tpu.memref_squeeze %dma_wait3A_615 : memref<1x!tpu.dma_semaphore, #tpu.memory_space<semaphore_mem>> -> memref<!tpu.dma_semaphore, #tpu.memory_space<semaphore_mem>>
        %dma_wait3A_617 = arith.constant 0 : i32
        %dma_wait3A_618 = tpu.memref_slice %arg4[%add3A_606, %dma_wait3A_617] : memref<819200x128xf32, #tpu.memory_space<hbm>> -> memref<64x128xf32, #tpu.memory_space<hbm>>
        %dma_wait3A_619 = arith.constant 0 : i32
        %dma_wait3A_620 = arith.constant 0 : i32
        %dma_wait3A_621 = tpu.memref_slice %arg6[%dma_wait3A_607, %dma_wait3A_619, %dma_wait3A_620] : memref<8x64x128xf32, #tpu.memory_space<vmem>> -> memref<1x64x128xf32, #tpu.memory_space<vmem>>
        %dma_wait3A_622 = tpu.memref_squeeze %dma_wait3A_621 : memref<1x64x128xf32, #tpu.memory_space<vmem>> -> memref<64x128xf32, #tpu.memory_space<vmem>>
        tpu.wait_dma2 semaphore(%dma_wait3A_616 : memref<!tpu.dma_semaphore, #tpu.memory_space<semaphore_mem>>) src(%dma_wait3A_622 : memref<64x128xf32, #tpu.memory_space<vmem>>) dst(%dma_wait3A_618 : memref<64x128xf32, #tpu.memory_space<hbm>>)
        %add3A_623 = arith.constant 8 : i32
        %add3A_624 = arith.addi %add3A_431, %add3A_623 : i32
        %mul3A_625 = arith.constant 64 : i32
        %mul3A_626 = arith.muli %add3A_624, %mul3A_625 : i32
        %dma_start3A_627 = arith.constant 4 : i32
        %dma_start3A_628 = arith.constant 4 : i32
        %dma_start3A_629 = arith.constant 0 : i32
        %dma_start3A_630 = arith.constant 0 : i32
        %dma_start3A_631 = tpu.memref_slice %arg6[%dma_start3A_627, %dma_start3A_629, %dma_start3A_630] : memref<8x64x128xf32, #tpu.memory_space<vmem>> -> memref<1x64x128xf32, #tpu.memory_space<vmem>>
        %dma_start3A_632 = tpu.memref_squeeze %dma_start3A_631 : memref<1x64x128xf32, #tpu.memory_space<vmem>> -> memref<64x128xf32, #tpu.memory_space<vmem>>
        %dma_start3A_633 = tpu.memref_slice %arg5[%mul3A_626] : memref<25600xi32, #tpu.memory_space<vmem>> -> memref<64xi32, #tpu.memory_space<vmem>>
        %dma_start3A_634 = arith.constant 0 : i32
        %dma_start3A_635 = arith.constant 0 : i32
        %dma_start3A_636 = tpu.memref_slice %arg3[%dma_start3A_634, %dma_start3A_635] : memref<1000000x128xf32, #tpu.memory_space<hbm>> -> memref<1000000x128xf32, #tpu.memory_space<hbm>>
        %dma_start3A_637 = tpu.memref_slice %arg7[%dma_start3A_628] : memref<8x!tpu.dma_semaphore, #tpu.memory_space<semaphore_mem>> -> memref<1x!tpu.dma_semaphore, #tpu.memory_space<semaphore_mem>>
        %dma_start3A_638 = tpu.memref_squeeze %dma_start3A_637 : memref<1x!tpu.dma_semaphore, #tpu.memory_space<semaphore_mem>> -> memref<!tpu.dma_semaphore, #tpu.memory_space<semaphore_mem>>
        tpu.enqueue_indirect_dma source(%dma_start3A_636 : memref<1000000x128xf32, #tpu.memory_space<hbm>>) target(%dma_start3A_632 : memref<64x128xf32, #tpu.memory_space<vmem>>) offsets(%dma_start3A_633 : memref<64xi32, #tpu.memory_space<vmem>>) semaphore(%dma_start3A_638 : memref<!tpu.dma_semaphore, #tpu.memory_space<semaphore_mem>>)
      } else {
      }
      %mul3A_472 = arith.constant 8 : i32
      %mul3A_473 = arith.muli %scan3A_254, %mul3A_472 : i32
      %add3A_474 = arith.constant 5 : i32
      %add3A_475 = arith.addi %mul3A_473, %add3A_474 : i32
      %mul3A_476 = arith.constant 64 : i32
      %mul3A_477 = arith.muli %add3A_475, %mul3A_476 : i32
      %dma_wait3A_478 = arith.constant 5 : i32
      %dma_wait3A_479 = arith.constant 5 : i32
      %dma_wait3A_480 = arith.constant 0 : i32
      %dma_wait3A_481 = arith.constant 0 : i32
      %dma_wait3A_482 = tpu.memref_slice %arg6[%dma_wait3A_478, %dma_wait3A_480, %dma_wait3A_481] : memref<8x64x128xf32, #tpu.memory_space<vmem>> -> memref<1x64x128xf32, #tpu.memory_space<vmem>>
      %dma_wait3A_483 = tpu.memref_squeeze %dma_wait3A_482 : memref<1x64x128xf32, #tpu.memory_space<vmem>> -> memref<64x128xf32, #tpu.memory_space<vmem>>
      %dma_wait3A_484 = tpu.memref_slice %arg5[%mul3A_477] : memref<25600xi32, #tpu.memory_space<vmem>> -> memref<64xi32, #tpu.memory_space<vmem>>
      %dma_wait3A_485 = arith.constant 0 : i32
      %dma_wait3A_486 = arith.constant 0 : i32
      %dma_wait3A_487 = tpu.memref_slice %arg3[%dma_wait3A_485, %dma_wait3A_486] : memref<1000000x128xf32, #tpu.memory_space<hbm>> -> memref<1000000x128xf32, #tpu.memory_space<hbm>>
      %dma_wait3A_488 = tpu.memref_slice %arg7[%dma_wait3A_479] : memref<8x!tpu.dma_semaphore, #tpu.memory_space<semaphore_mem>> -> memref<1x!tpu.dma_semaphore, #tpu.memory_space<semaphore_mem>>
      %dma_wait3A_489 = tpu.memref_squeeze %dma_wait3A_488 : memref<1x!tpu.dma_semaphore, #tpu.memory_space<semaphore_mem>> -> memref<!tpu.dma_semaphore, #tpu.memory_space<semaphore_mem>>
      tpu.wait_indirect_dma semaphore(%dma_wait3A_489 : memref<!tpu.dma_semaphore, #tpu.memory_space<semaphore_mem>>) src(%dma_wait3A_487 : memref<1000000x128xf32, #tpu.memory_space<hbm>>) dst(%dma_wait3A_483 : memref<64x128xf32, #tpu.memory_space<vmem>>)
      %mul3A_490 = arith.constant 64 : i32
      %mul3A_491 = arith.muli %add3A_475, %mul3A_490 : i32
      %add3A_492 = arith.addi %mul3A_2, %mul3A_491 : i32
      %dma_start3A_493 = arith.constant 5 : i32
      %dma_start3A_494 = arith.constant 5 : i32
      %dma_start3A_495 = arith.constant 0 : i32
      %dma_start3A_496 = arith.constant 0 : i32
      %dma_start3A_497 = tpu.memref_slice %arg6[%dma_start3A_493, %dma_start3A_495, %dma_start3A_496] : memref<8x64x128xf32, #tpu.memory_space<vmem>> -> memref<1x64x128xf32, #tpu.memory_space<vmem>>
      %dma_start3A_498 = tpu.memref_squeeze %dma_start3A_497 : memref<1x64x128xf32, #tpu.memory_space<vmem>> -> memref<64x128xf32, #tpu.memory_space<vmem>>
      %dma_start3A_499 = arith.constant 0 : i32
      %dma_start3A_500 = tpu.memref_slice %arg4[%add3A_492, %dma_start3A_499] : memref<819200x128xf32, #tpu.memory_space<hbm>> -> memref<64x128xf32, #tpu.memory_space<hbm>>
      %dma_start3A_501 = tpu.memref_slice %arg8[%dma_start3A_494] : memref<8x!tpu.dma_semaphore, #tpu.memory_space<semaphore_mem>> -> memref<1x!tpu.dma_semaphore, #tpu.memory_space<semaphore_mem>>
      %dma_start3A_502 = tpu.memref_squeeze %dma_start3A_501 : memref<1x!tpu.dma_semaphore, #tpu.memory_space<semaphore_mem>> -> memref<!tpu.dma_semaphore, #tpu.memory_space<semaphore_mem>>
      %dma_start3A_503 = arith.constant 0 : i32
      %dma_start3A_504 = tpu.memref_slice %arg4[%add3A_492, %dma_start3A_503] : memref<819200x128xf32, #tpu.memory_space<hbm>> -> memref<64x128xf32, #tpu.memory_space<hbm>>
      %dma_start3A_505 = arith.constant 0 : i32
      %dma_start3A_506 = arith.constant 0 : i32
      %dma_start3A_507 = tpu.memref_slice %arg6[%dma_start3A_493, %dma_start3A_505, %dma_start3A_506] : memref<8x64x128xf32, #tpu.memory_space<vmem>> -> memref<1x64x128xf32, #tpu.memory_space<vmem>>
      %dma_start3A_508 = tpu.memref_squeeze %dma_start3A_507 : memref<1x64x128xf32, #tpu.memory_space<vmem>> -> memref<64x128xf32, #tpu.memory_space<vmem>>
      tpu.enqueue_dma source(%dma_start3A_508 : memref<64x128xf32, #tpu.memory_space<vmem>>) target(%dma_start3A_504 : memref<64x128xf32, #tpu.memory_space<hbm>>) target_semaphore(%dma_start3A_502 : memref<!tpu.dma_semaphore, #tpu.memory_space<semaphore_mem>>)
      %add3A_509 = arith.constant 8 : i32
      %add3A_510 = arith.addi %add3A_475, %add3A_509 : i32
      %lt3A_511 = arith.constant 400 : i32
      %lt3A_512 = arith.cmpi slt, %add3A_510, %lt3A_511 : i32
      %convert_element_type3A_513 = arith.extui %lt3A_512 : i1 to i32
      %cond3A_514 = arith.constant 0 : i32
      %cond3A_515 = arith.cmpi ne, %convert_element_type3A_513, %cond3A_514 : i32
      scf.if %cond3A_515 {
        %mul3A_604 = arith.constant 64 : i32
        %mul3A_605 = arith.muli %add3A_475, %mul3A_604 : i32
        %add3A_606 = arith.addi %mul3A_2, %mul3A_605 : i32
        %dma_wait3A_607 = arith.constant 5 : i32
        %dma_wait3A_608 = arith.constant 5 : i32
        %dma_wait3A_609 = arith.constant 0 : i32
        %dma_wait3A_610 = arith.constant 0 : i32
        %dma_wait3A_611 = tpu.memref_slice %arg6[%dma_wait3A_607, %dma_wait3A_609, %dma_wait3A_610] : memref<8x64x128xf32, #tpu.memory_space<vmem>> -> memref<1x64x128xf32, #tpu.memory_space<vmem>>
        %dma_wait3A_612 = tpu.memref_squeeze %dma_wait3A_611 : memref<1x64x128xf32, #tpu.memory_space<vmem>> -> memref<64x128xf32, #tpu.memory_space<vmem>>
        %dma_wait3A_613 = arith.constant 0 : i32
        %dma_wait3A_614 = tpu.memref_slice %arg4[%add3A_606, %dma_wait3A_613] : memref<819200x128xf32, #tpu.memory_space<hbm>> -> memref<64x128xf32, #tpu.memory_space<hbm>>
        %dma_wait3A_615 = tpu.memref_slice %arg8[%dma_wait3A_608] : memref<8x!tpu.dma_semaphore, #tpu.memory_space<semaphore_mem>> -> memref<1x!tpu.dma_semaphore, #tpu.memory_space<semaphore_mem>>
        %dma_wait3A_616 = tpu.memref_squeeze %dma_wait3A_615 : memref<1x!tpu.dma_semaphore, #tpu.memory_space<semaphore_mem>> -> memref<!tpu.dma_semaphore, #tpu.memory_space<semaphore_mem>>
        %dma_wait3A_617 = arith.constant 0 : i32
        %dma_wait3A_618 = tpu.memref_slice %arg4[%add3A_606, %dma_wait3A_617] : memref<819200x128xf32, #tpu.memory_space<hbm>> -> memref<64x128xf32, #tpu.memory_space<hbm>>
        %dma_wait3A_619 = arith.constant 0 : i32
        %dma_wait3A_620 = arith.constant 0 : i32
        %dma_wait3A_621 = tpu.memref_slice %arg6[%dma_wait3A_607, %dma_wait3A_619, %dma_wait3A_620] : memref<8x64x128xf32, #tpu.memory_space<vmem>> -> memref<1x64x128xf32, #tpu.memory_space<vmem>>
        %dma_wait3A_622 = tpu.memref_squeeze %dma_wait3A_621 : memref<1x64x128xf32, #tpu.memory_space<vmem>> -> memref<64x128xf32, #tpu.memory_space<vmem>>
        tpu.wait_dma2 semaphore(%dma_wait3A_616 : memref<!tpu.dma_semaphore, #tpu.memory_space<semaphore_mem>>) src(%dma_wait3A_622 : memref<64x128xf32, #tpu.memory_space<vmem>>) dst(%dma_wait3A_618 : memref<64x128xf32, #tpu.memory_space<hbm>>)
        %add3A_623 = arith.constant 8 : i32
        %add3A_624 = arith.addi %add3A_475, %add3A_623 : i32
        %mul3A_625 = arith.constant 64 : i32
        %mul3A_626 = arith.muli %add3A_624, %mul3A_625 : i32
        %dma_start3A_627 = arith.constant 5 : i32
        %dma_start3A_628 = arith.constant 5 : i32
        %dma_start3A_629 = arith.constant 0 : i32
        %dma_start3A_630 = arith.constant 0 : i32
        %dma_start3A_631 = tpu.memref_slice %arg6[%dma_start3A_627, %dma_start3A_629, %dma_start3A_630] : memref<8x64x128xf32, #tpu.memory_space<vmem>> -> memref<1x64x128xf32, #tpu.memory_space<vmem>>
        %dma_start3A_632 = tpu.memref_squeeze %dma_start3A_631 : memref<1x64x128xf32, #tpu.memory_space<vmem>> -> memref<64x128xf32, #tpu.memory_space<vmem>>
        %dma_start3A_633 = tpu.memref_slice %arg5[%mul3A_626] : memref<25600xi32, #tpu.memory_space<vmem>> -> memref<64xi32, #tpu.memory_space<vmem>>
        %dma_start3A_634 = arith.constant 0 : i32
        %dma_start3A_635 = arith.constant 0 : i32
        %dma_start3A_636 = tpu.memref_slice %arg3[%dma_start3A_634, %dma_start3A_635] : memref<1000000x128xf32, #tpu.memory_space<hbm>> -> memref<1000000x128xf32, #tpu.memory_space<hbm>>
        %dma_start3A_637 = tpu.memref_slice %arg7[%dma_start3A_628] : memref<8x!tpu.dma_semaphore, #tpu.memory_space<semaphore_mem>> -> memref<1x!tpu.dma_semaphore, #tpu.memory_space<semaphore_mem>>
        %dma_start3A_638 = tpu.memref_squeeze %dma_start3A_637 : memref<1x!tpu.dma_semaphore, #tpu.memory_space<semaphore_mem>> -> memref<!tpu.dma_semaphore, #tpu.memory_space<semaphore_mem>>
        tpu.enqueue_indirect_dma source(%dma_start3A_636 : memref<1000000x128xf32, #tpu.memory_space<hbm>>) target(%dma_start3A_632 : memref<64x128xf32, #tpu.memory_space<vmem>>) offsets(%dma_start3A_633 : memref<64xi32, #tpu.memory_space<vmem>>) semaphore(%dma_start3A_638 : memref<!tpu.dma_semaphore, #tpu.memory_space<semaphore_mem>>)
      } else {
      }
      %mul3A_516 = arith.constant 8 : i32
      %mul3A_517 = arith.muli %scan3A_254, %mul3A_516 : i32
      %add3A_518 = arith.constant 6 : i32
      %add3A_519 = arith.addi %mul3A_517, %add3A_518 : i32
      %mul3A_520 = arith.constant 64 : i32
      %mul3A_521 = arith.muli %add3A_519, %mul3A_520 : i32
      %dma_wait3A_522 = arith.constant 6 : i32
      %dma_wait3A_523 = arith.constant 6 : i32
      %dma_wait3A_524 = arith.constant 0 : i32
      %dma_wait3A_525 = arith.constant 0 : i32
      %dma_wait3A_526 = tpu.memref_slice %arg6[%dma_wait3A_522, %dma_wait3A_524, %dma_wait3A_525] : memref<8x64x128xf32, #tpu.memory_space<vmem>> -> memref<1x64x128xf32, #tpu.memory_space<vmem>>
      %dma_wait3A_527 = tpu.memref_squeeze %dma_wait3A_526 : memref<1x64x128xf32, #tpu.memory_space<vmem>> -> memref<64x128xf32, #tpu.memory_space<vmem>>
      %dma_wait3A_528 = tpu.memref_slice %arg5[%mul3A_521] : memref<25600xi32, #tpu.memory_space<vmem>> -> memref<64xi32, #tpu.memory_space<vmem>>
      %dma_wait3A_529 = arith.constant 0 : i32
      %dma_wait3A_530 = arith.constant 0 : i32
      %dma_wait3A_531 = tpu.memref_slice %arg3[%dma_wait3A_529, %dma_wait3A_530] : memref<1000000x128xf32, #tpu.memory_space<hbm>> -> memref<1000000x128xf32, #tpu.memory_space<hbm>>
      %dma_wait3A_532 = tpu.memref_slice %arg7[%dma_wait3A_523] : memref<8x!tpu.dma_semaphore, #tpu.memory_space<semaphore_mem>> -> memref<1x!tpu.dma_semaphore, #tpu.memory_space<semaphore_mem>>
      %dma_wait3A_533 = tpu.memref_squeeze %dma_wait3A_532 : memref<1x!tpu.dma_semaphore, #tpu.memory_space<semaphore_mem>> -> memref<!tpu.dma_semaphore, #tpu.memory_space<semaphore_mem>>
      tpu.wait_indirect_dma semaphore(%dma_wait3A_533 : memref<!tpu.dma_semaphore, #tpu.memory_space<semaphore_mem>>) src(%dma_wait3A_531 : memref<1000000x128xf32, #tpu.memory_space<hbm>>) dst(%dma_wait3A_527 : memref<64x128xf32, #tpu.memory_space<vmem>>)
      %mul3A_534 = arith.constant 64 : i32
      %mul3A_535 = arith.muli %add3A_519, %mul3A_534 : i32
      %add3A_536 = arith.addi %mul3A_2, %mul3A_535 : i32
      %dma_start3A_537 = arith.constant 6 : i32
      %dma_start3A_538 = arith.constant 6 : i32
      %dma_start3A_539 = arith.constant 0 : i32
      %dma_start3A_540 = arith.constant 0 : i32
      %dma_start3A_541 = tpu.memref_slice %arg6[%dma_start3A_537, %dma_start3A_539, %dma_start3A_540] : memref<8x64x128xf32, #tpu.memory_space<vmem>> -> memref<1x64x128xf32, #tpu.memory_space<vmem>>
      %dma_start3A_542 = tpu.memref_squeeze %dma_start3A_541 : memref<1x64x128xf32, #tpu.memory_space<vmem>> -> memref<64x128xf32, #tpu.memory_space<vmem>>
      %dma_start3A_543 = arith.constant 0 : i32
      %dma_start3A_544 = tpu.memref_slice %arg4[%add3A_536, %dma_start3A_543] : memref<819200x128xf32, #tpu.memory_space<hbm>> -> memref<64x128xf32, #tpu.memory_space<hbm>>
      %dma_start3A_545 = tpu.memref_slice %arg8[%dma_start3A_538] : memref<8x!tpu.dma_semaphore, #tpu.memory_space<semaphore_mem>> -> memref<1x!tpu.dma_semaphore, #tpu.memory_space<semaphore_mem>>
      %dma_start3A_546 = tpu.memref_squeeze %dma_start3A_545 : memref<1x!tpu.dma_semaphore, #tpu.memory_space<semaphore_mem>> -> memref<!tpu.dma_semaphore, #tpu.memory_space<semaphore_mem>>
      %dma_start3A_547 = arith.constant 0 : i32
      %dma_start3A_548 = tpu.memref_slice %arg4[%add3A_536, %dma_start3A_547] : memref<819200x128xf32, #tpu.memory_space<hbm>> -> memref<64x128xf32, #tpu.memory_space<hbm>>
      %dma_start3A_549 = arith.constant 0 : i32
      %dma_start3A_550 = arith.constant 0 : i32
      %dma_start3A_551 = tpu.memref_slice %arg6[%dma_start3A_537, %dma_start3A_549, %dma_start3A_550] : memref<8x64x128xf32, #tpu.memory_space<vmem>> -> memref<1x64x128xf32, #tpu.memory_space<vmem>>
      %dma_start3A_552 = tpu.memref_squeeze %dma_start3A_551 : memref<1x64x128xf32, #tpu.memory_space<vmem>> -> memref<64x128xf32, #tpu.memory_space<vmem>>
      tpu.enqueue_dma source(%dma_start3A_552 : memref<64x128xf32, #tpu.memory_space<vmem>>) target(%dma_start3A_548 : memref<64x128xf32, #tpu.memory_space<hbm>>) target_semaphore(%dma_start3A_546 : memref<!tpu.dma_semaphore, #tpu.memory_space<semaphore_mem>>)
      %add3A_553 = arith.constant 8 : i32
      %add3A_554 = arith.addi %add3A_519, %add3A_553 : i32
      %lt3A_555 = arith.constant 400 : i32
      %lt3A_556 = arith.cmpi slt, %add3A_554, %lt3A_555 : i32
      %convert_element_type3A_557 = arith.extui %lt3A_556 : i1 to i32
      %cond3A_558 = arith.constant 0 : i32
      %cond3A_559 = arith.cmpi ne, %convert_element_type3A_557, %cond3A_558 : i32
      scf.if %cond3A_559 {
        %mul3A_604 = arith.constant 64 : i32
        %mul3A_605 = arith.muli %add3A_519, %mul3A_604 : i32
        %add3A_606 = arith.addi %mul3A_2, %mul3A_605 : i32
        %dma_wait3A_607 = arith.constant 6 : i32
        %dma_wait3A_608 = arith.constant 6 : i32
        %dma_wait3A_609 = arith.constant 0 : i32
        %dma_wait3A_610 = arith.constant 0 : i32
        %dma_wait3A_611 = tpu.memref_slice %arg6[%dma_wait3A_607, %dma_wait3A_609, %dma_wait3A_610] : memref<8x64x128xf32, #tpu.memory_space<vmem>> -> memref<1x64x128xf32, #tpu.memory_space<vmem>>
        %dma_wait3A_612 = tpu.memref_squeeze %dma_wait3A_611 : memref<1x64x128xf32, #tpu.memory_space<vmem>> -> memref<64x128xf32, #tpu.memory_space<vmem>>
        %dma_wait3A_613 = arith.constant 0 : i32
        %dma_wait3A_614 = tpu.memref_slice %arg4[%add3A_606, %dma_wait3A_613] : memref<819200x128xf32, #tpu.memory_space<hbm>> -> memref<64x128xf32, #tpu.memory_space<hbm>>
        %dma_wait3A_615 = tpu.memref_slice %arg8[%dma_wait3A_608] : memref<8x!tpu.dma_semaphore, #tpu.memory_space<semaphore_mem>> -> memref<1x!tpu.dma_semaphore, #tpu.memory_space<semaphore_mem>>
        %dma_wait3A_616 = tpu.memref_squeeze %dma_wait3A_615 : memref<1x!tpu.dma_semaphore, #tpu.memory_space<semaphore_mem>> -> memref<!tpu.dma_semaphore, #tpu.memory_space<semaphore_mem>>
        %dma_wait3A_617 = arith.constant 0 : i32
        %dma_wait3A_618 = tpu.memref_slice %arg4[%add3A_606, %dma_wait3A_617] : memref<819200x128xf32, #tpu.memory_space<hbm>> -> memref<64x128xf32, #tpu.memory_space<hbm>>
        %dma_wait3A_619 = arith.constant 0 : i32
        %dma_wait3A_620 = arith.constant 0 : i32
        %dma_wait3A_621 = tpu.memref_slice %arg6[%dma_wait3A_607, %dma_wait3A_619, %dma_wait3A_620] : memref<8x64x128xf32, #tpu.memory_space<vmem>> -> memref<1x64x128xf32, #tpu.memory_space<vmem>>
        %dma_wait3A_622 = tpu.memref_squeeze %dma_wait3A_621 : memref<1x64x128xf32, #tpu.memory_space<vmem>> -> memref<64x128xf32, #tpu.memory_space<vmem>>
        tpu.wait_dma2 semaphore(%dma_wait3A_616 : memref<!tpu.dma_semaphore, #tpu.memory_space<semaphore_mem>>) src(%dma_wait3A_622 : memref<64x128xf32, #tpu.memory_space<vmem>>) dst(%dma_wait3A_618 : memref<64x128xf32, #tpu.memory_space<hbm>>)
        %add3A_623 = arith.constant 8 : i32
        %add3A_624 = arith.addi %add3A_519, %add3A_623 : i32
        %mul3A_625 = arith.constant 64 : i32
        %mul3A_626 = arith.muli %add3A_624, %mul3A_625 : i32
        %dma_start3A_627 = arith.constant 6 : i32
        %dma_start3A_628 = arith.constant 6 : i32
        %dma_start3A_629 = arith.constant 0 : i32
        %dma_start3A_630 = arith.constant 0 : i32
        %dma_start3A_631 = tpu.memref_slice %arg6[%dma_start3A_627, %dma_start3A_629, %dma_start3A_630] : memref<8x64x128xf32, #tpu.memory_space<vmem>> -> memref<1x64x128xf32, #tpu.memory_space<vmem>>
        %dma_start3A_632 = tpu.memref_squeeze %dma_start3A_631 : memref<1x64x128xf32, #tpu.memory_space<vmem>> -> memref<64x128xf32, #tpu.memory_space<vmem>>
        %dma_start3A_633 = tpu.memref_slice %arg5[%mul3A_626] : memref<25600xi32, #tpu.memory_space<vmem>> -> memref<64xi32, #tpu.memory_space<vmem>>
        %dma_start3A_634 = arith.constant 0 : i32
        %dma_start3A_635 = arith.constant 0 : i32
        %dma_start3A_636 = tpu.memref_slice %arg3[%dma_start3A_634, %dma_start3A_635] : memref<1000000x128xf32, #tpu.memory_space<hbm>> -> memref<1000000x128xf32, #tpu.memory_space<hbm>>
        %dma_start3A_637 = tpu.memref_slice %arg7[%dma_start3A_628] : memref<8x!tpu.dma_semaphore, #tpu.memory_space<semaphore_mem>> -> memref<1x!tpu.dma_semaphore, #tpu.memory_space<semaphore_mem>>
        %dma_start3A_638 = tpu.memref_squeeze %dma_start3A_637 : memref<1x!tpu.dma_semaphore, #tpu.memory_space<semaphore_mem>> -> memref<!tpu.dma_semaphore, #tpu.memory_space<semaphore_mem>>
        tpu.enqueue_indirect_dma source(%dma_start3A_636 : memref<1000000x128xf32, #tpu.memory_space<hbm>>) target(%dma_start3A_632 : memref<64x128xf32, #tpu.memory_space<vmem>>) offsets(%dma_start3A_633 : memref<64xi32, #tpu.memory_space<vmem>>) semaphore(%dma_start3A_638 : memref<!tpu.dma_semaphore, #tpu.memory_space<semaphore_mem>>)
      } else {
      }
      %mul3A_560 = arith.constant 8 : i32
      %mul3A_561 = arith.muli %scan3A_254, %mul3A_560 : i32
      %add3A_562 = arith.constant 7 : i32
      %add3A_563 = arith.addi %mul3A_561, %add3A_562 : i32
      %mul3A_564 = arith.constant 64 : i32
      %mul3A_565 = arith.muli %add3A_563, %mul3A_564 : i32
      %dma_wait3A_566 = arith.constant 7 : i32
      %dma_wait3A_567 = arith.constant 7 : i32
      %dma_wait3A_568 = arith.constant 0 : i32
      %dma_wait3A_569 = arith.constant 0 : i32
      %dma_wait3A_570 = tpu.memref_slice %arg6[%dma_wait3A_566, %dma_wait3A_568, %dma_wait3A_569] : memref<8x64x128xf32, #tpu.memory_space<vmem>> -> memref<1x64x128xf32, #tpu.memory_space<vmem>>
      %dma_wait3A_571 = tpu.memref_squeeze %dma_wait3A_570 : memref<1x64x128xf32, #tpu.memory_space<vmem>> -> memref<64x128xf32, #tpu.memory_space<vmem>>
      %dma_wait3A_572 = tpu.memref_slice %arg5[%mul3A_565] : memref<25600xi32, #tpu.memory_space<vmem>> -> memref<64xi32, #tpu.memory_space<vmem>>
      %dma_wait3A_573 = arith.constant 0 : i32
      %dma_wait3A_574 = arith.constant 0 : i32
      %dma_wait3A_575 = tpu.memref_slice %arg3[%dma_wait3A_573, %dma_wait3A_574] : memref<1000000x128xf32, #tpu.memory_space<hbm>> -> memref<1000000x128xf32, #tpu.memory_space<hbm>>
      %dma_wait3A_576 = tpu.memref_slice %arg7[%dma_wait3A_567] : memref<8x!tpu.dma_semaphore, #tpu.memory_space<semaphore_mem>> -> memref<1x!tpu.dma_semaphore, #tpu.memory_space<semaphore_mem>>
      %dma_wait3A_577 = tpu.memref_squeeze %dma_wait3A_576 : memref<1x!tpu.dma_semaphore, #tpu.memory_space<semaphore_mem>> -> memref<!tpu.dma_semaphore, #tpu.memory_space<semaphore_mem>>
      tpu.wait_indirect_dma semaphore(%dma_wait3A_577 : memref<!tpu.dma_semaphore, #tpu.memory_space<semaphore_mem>>) src(%dma_wait3A_575 : memref<1000000x128xf32, #tpu.memory_space<hbm>>) dst(%dma_wait3A_571 : memref<64x128xf32, #tpu.memory_space<vmem>>)
      %mul3A_578 = arith.constant 64 : i32
      %mul3A_579 = arith.muli %add3A_563, %mul3A_578 : i32
      %add3A_580 = arith.addi %mul3A_2, %mul3A_579 : i32
      %dma_start3A_581 = arith.constant 7 : i32
      %dma_start3A_582 = arith.constant 7 : i32
      %dma_start3A_583 = arith.constant 0 : i32
      %dma_start3A_584 = arith.constant 0 : i32
      %dma_start3A_585 = tpu.memref_slice %arg6[%dma_start3A_581, %dma_start3A_583, %dma_start3A_584] : memref<8x64x128xf32, #tpu.memory_space<vmem>> -> memref<1x64x128xf32, #tpu.memory_space<vmem>>
      %dma_start3A_586 = tpu.memref_squeeze %dma_start3A_585 : memref<1x64x128xf32, #tpu.memory_space<vmem>> -> memref<64x128xf32, #tpu.memory_space<vmem>>
      %dma_start3A_587 = arith.constant 0 : i32
      %dma_start3A_588 = tpu.memref_slice %arg4[%add3A_580, %dma_start3A_587] : memref<819200x128xf32, #tpu.memory_space<hbm>> -> memref<64x128xf32, #tpu.memory_space<hbm>>
      %dma_start3A_589 = tpu.memref_slice %arg8[%dma_start3A_582] : memref<8x!tpu.dma_semaphore, #tpu.memory_space<semaphore_mem>> -> memref<1x!tpu.dma_semaphore, #tpu.memory_space<semaphore_mem>>
      %dma_start3A_590 = tpu.memref_squeeze %dma_start3A_589 : memref<1x!tpu.dma_semaphore, #tpu.memory_space<semaphore_mem>> -> memref<!tpu.dma_semaphore, #tpu.memory_space<semaphore_mem>>
      %dma_start3A_591 = arith.constant 0 : i32
      %dma_start3A_592 = tpu.memref_slice %arg4[%add3A_580, %dma_start3A_591] : memref<819200x128xf32, #tpu.memory_space<hbm>> -> memref<64x128xf32, #tpu.memory_space<hbm>>
      %dma_start3A_593 = arith.constant 0 : i32
      %dma_start3A_594 = arith.constant 0 : i32
      %dma_start3A_595 = tpu.memref_slice %arg6[%dma_start3A_581, %dma_start3A_593, %dma_start3A_594] : memref<8x64x128xf32, #tpu.memory_space<vmem>> -> memref<1x64x128xf32, #tpu.memory_space<vmem>>
      %dma_start3A_596 = tpu.memref_squeeze %dma_start3A_595 : memref<1x64x128xf32, #tpu.memory_space<vmem>> -> memref<64x128xf32, #tpu.memory_space<vmem>>
      tpu.enqueue_dma source(%dma_start3A_596 : memref<64x128xf32, #tpu.memory_space<vmem>>) target(%dma_start3A_592 : memref<64x128xf32, #tpu.memory_space<hbm>>) target_semaphore(%dma_start3A_590 : memref<!tpu.dma_semaphore, #tpu.memory_space<semaphore_mem>>)
      %add3A_597 = arith.constant 8 : i32
      %add3A_598 = arith.addi %add3A_563, %add3A_597 : i32
      %lt3A_599 = arith.constant 400 : i32
      %lt3A_600 = arith.cmpi slt, %add3A_598, %lt3A_599 : i32
      %convert_element_type3A_601 = arith.extui %lt3A_600 : i1 to i32
      %cond3A_602 = arith.constant 0 : i32
      %cond3A_603 = arith.cmpi ne, %convert_element_type3A_601, %cond3A_602 : i32
      scf.if %cond3A_603 {
        %mul3A_604 = arith.constant 64 : i32
        %mul3A_605 = arith.muli %add3A_563, %mul3A_604 : i32
        %add3A_606 = arith.addi %mul3A_2, %mul3A_605 : i32
        %dma_wait3A_607 = arith.constant 7 : i32
        %dma_wait3A_608 = arith.constant 7 : i32
        %dma_wait3A_609 = arith.constant 0 : i32
        %dma_wait3A_610 = arith.constant 0 : i32
        %dma_wait3A_611 = tpu.memref_slice %arg6[%dma_wait3A_607, %dma_wait3A_609, %dma_wait3A_610] : memref<8x64x128xf32, #tpu.memory_space<vmem>> -> memref<1x64x128xf32, #tpu.memory_space<vmem>>
        %dma_wait3A_612 = tpu.memref_squeeze %dma_wait3A_611 : memref<1x64x128xf32, #tpu.memory_space<vmem>> -> memref<64x128xf32, #tpu.memory_space<vmem>>
        %dma_wait3A_613 = arith.constant 0 : i32
        %dma_wait3A_614 = tpu.memref_slice %arg4[%add3A_606, %dma_wait3A_613] : memref<819200x128xf32, #tpu.memory_space<hbm>> -> memref<64x128xf32, #tpu.memory_space<hbm>>
        %dma_wait3A_615 = tpu.memref_slice %arg8[%dma_wait3A_608] : memref<8x!tpu.dma_semaphore, #tpu.memory_space<semaphore_mem>> -> memref<1x!tpu.dma_semaphore, #tpu.memory_space<semaphore_mem>>
        %dma_wait3A_616 = tpu.memref_squeeze %dma_wait3A_615 : memref<1x!tpu.dma_semaphore, #tpu.memory_space<semaphore_mem>> -> memref<!tpu.dma_semaphore, #tpu.memory_space<semaphore_mem>>
        %dma_wait3A_617 = arith.constant 0 : i32
        %dma_wait3A_618 = tpu.memref_slice %arg4[%add3A_606, %dma_wait3A_617] : memref<819200x128xf32, #tpu.memory_space<hbm>> -> memref<64x128xf32, #tpu.memory_space<hbm>>
        %dma_wait3A_619 = arith.constant 0 : i32
        %dma_wait3A_620 = arith.constant 0 : i32
        %dma_wait3A_621 = tpu.memref_slice %arg6[%dma_wait3A_607, %dma_wait3A_619, %dma_wait3A_620] : memref<8x64x128xf32, #tpu.memory_space<vmem>> -> memref<1x64x128xf32, #tpu.memory_space<vmem>>
        %dma_wait3A_622 = tpu.memref_squeeze %dma_wait3A_621 : memref<1x64x128xf32, #tpu.memory_space<vmem>> -> memref<64x128xf32, #tpu.memory_space<vmem>>
        tpu.wait_dma2 semaphore(%dma_wait3A_616 : memref<!tpu.dma_semaphore, #tpu.memory_space<semaphore_mem>>) src(%dma_wait3A_622 : memref<64x128xf32, #tpu.memory_space<vmem>>) dst(%dma_wait3A_618 : memref<64x128xf32, #tpu.memory_space<hbm>>)
        %add3A_623 = arith.constant 8 : i32
        %add3A_624 = arith.addi %add3A_563, %add3A_623 : i32
        %mul3A_625 = arith.constant 64 : i32
        %mul3A_626 = arith.muli %add3A_624, %mul3A_625 : i32
        %dma_start3A_627 = arith.constant 7 : i32
        %dma_start3A_628 = arith.constant 7 : i32
        %dma_start3A_629 = arith.constant 0 : i32
        %dma_start3A_630 = arith.constant 0 : i32
        %dma_start3A_631 = tpu.memref_slice %arg6[%dma_start3A_627, %dma_start3A_629, %dma_start3A_630] : memref<8x64x128xf32, #tpu.memory_space<vmem>> -> memref<1x64x128xf32, #tpu.memory_space<vmem>>
        %dma_start3A_632 = tpu.memref_squeeze %dma_start3A_631 : memref<1x64x128xf32, #tpu.memory_space<vmem>> -> memref<64x128xf32, #tpu.memory_space<vmem>>
        %dma_start3A_633 = tpu.memref_slice %arg5[%mul3A_626] : memref<25600xi32, #tpu.memory_space<vmem>> -> memref<64xi32, #tpu.memory_space<vmem>>
        %dma_start3A_634 = arith.constant 0 : i32
        %dma_start3A_635 = arith.constant 0 : i32
        %dma_start3A_636 = tpu.memref_slice %arg3[%dma_start3A_634, %dma_start3A_635] : memref<1000000x128xf32, #tpu.memory_space<hbm>> -> memref<1000000x128xf32, #tpu.memory_space<hbm>>
        %dma_start3A_637 = tpu.memref_slice %arg7[%dma_start3A_628] : memref<8x!tpu.dma_semaphore, #tpu.memory_space<semaphore_mem>> -> memref<1x!tpu.dma_semaphore, #tpu.memory_space<semaphore_mem>>
        %dma_start3A_638 = tpu.memref_squeeze %dma_start3A_637 : memref<1x!tpu.dma_semaphore, #tpu.memory_space<semaphore_mem>> -> memref<!tpu.dma_semaphore, #tpu.memory_space<semaphore_mem>>
        tpu.enqueue_indirect_dma source(%dma_start3A_636 : memref<1000000x128xf32, #tpu.memory_space<hbm>>) target(%dma_start3A_632 : memref<64x128xf32, #tpu.memory_space<vmem>>) offsets(%dma_start3A_633 : memref<64xi32, #tpu.memory_space<vmem>>) semaphore(%dma_start3A_638 : memref<!tpu.dma_semaphore, #tpu.memory_space<semaphore_mem>>)
      } else {
      }
    }
    %scan3A_110 = arith.constant 50 : i32
    %add3A_111 = arith.constant 25088 : i32
    %add3A_112 = arith.addi %mul3A_2, %add3A_111 : i32
    %dma_wait3A = arith.constant 0 : i32
    %dma_wait3A_113 = arith.constant 0 : i32
    %dma_wait3A_114 = arith.constant 0 : i32
    %dma_wait3A_115 = arith.constant 0 : i32
    %dma_wait3A_116 = tpu.memref_slice %arg6[%dma_wait3A, %dma_wait3A_114, %dma_wait3A_115] : memref<8x64x128xf32, #tpu.memory_space<vmem>> -> memref<1x64x128xf32, #tpu.memory_space<vmem>>
    %dma_wait3A_117 = tpu.memref_squeeze %dma_wait3A_116 : memref<1x64x128xf32, #tpu.memory_space<vmem>> -> memref<64x128xf32, #tpu.memory_space<vmem>>
    %dma_wait3A_118 = arith.constant 0 : i32
    %dma_wait3A_119 = tpu.memref_slice %arg4[%add3A_112, %dma_wait3A_118] : memref<819200x128xf32, #tpu.memory_space<hbm>> -> memref<64x128xf32, #tpu.memory_space<hbm>>
    %dma_wait3A_120 = tpu.memref_slice %arg8[%dma_wait3A_113] : memref<8x!tpu.dma_semaphore, #tpu.memory_space<semaphore_mem>> -> memref<1x!tpu.dma_semaphore, #tpu.memory_space<semaphore_mem>>
    %dma_wait3A_121 = tpu.memref_squeeze %dma_wait3A_120 : memref<1x!tpu.dma_semaphore, #tpu.memory_space<semaphore_mem>> -> memref<!tpu.dma_semaphore, #tpu.memory_space<semaphore_mem>>
    %dma_wait3A_122 = arith.constant 0 : i32
    %dma_wait3A_123 = tpu.memref_slice %arg4[%add3A_112, %dma_wait3A_122] : memref<819200x128xf32, #tpu.memory_space<hbm>> -> memref<64x128xf32, #tpu.memory_space<hbm>>
    %dma_wait3A_124 = arith.constant 0 : i32
    %dma_wait3A_125 = arith.constant 0 : i32
    %dma_wait3A_126 = tpu.memref_slice %arg6[%dma_wait3A, %dma_wait3A_124, %dma_wait3A_125] : memref<8x64x128xf32, #tpu.memory_space<vmem>> -> memref<1x64x128xf32, #tpu.memory_space<vmem>>
    %dma_wait3A_127 = tpu.memref_squeeze %dma_wait3A_126 : memref<1x64x128xf32, #tpu.memory_space<vmem>> -> memref<64x128xf32, #tpu.memory_space<vmem>>
    tpu.wait_dma2 semaphore(%dma_wait3A_121 : memref<!tpu.dma_semaphore, #tpu.memory_space<semaphore_mem>>) src(%dma_wait3A_127 : memref<64x128xf32, #tpu.memory_space<vmem>>) dst(%dma_wait3A_123 : memref<64x128xf32, #tpu.memory_space<hbm>>)
    %add3A_128 = arith.constant 25152 : i32
    %add3A_129 = arith.addi %mul3A_2, %add3A_128 : i32
    %dma_wait3A_130 = arith.constant 1 : i32
    %dma_wait3A_131 = arith.constant 1 : i32
    %dma_wait3A_132 = arith.constant 0 : i32
    %dma_wait3A_133 = arith.constant 0 : i32
    %dma_wait3A_134 = tpu.memref_slice %arg6[%dma_wait3A_130, %dma_wait3A_132, %dma_wait3A_133] : memref<8x64x128xf32, #tpu.memory_space<vmem>> -> memref<1x64x128xf32, #tpu.memory_space<vmem>>
    %dma_wait3A_135 = tpu.memref_squeeze %dma_wait3A_134 : memref<1x64x128xf32, #tpu.memory_space<vmem>> -> memref<64x128xf32, #tpu.memory_space<vmem>>
    %dma_wait3A_136 = arith.constant 0 : i32
    %dma_wait3A_137 = tpu.memref_slice %arg4[%add3A_129, %dma_wait3A_136] : memref<819200x128xf32, #tpu.memory_space<hbm>> -> memref<64x128xf32, #tpu.memory_space<hbm>>
    %dma_wait3A_138 = tpu.memref_slice %arg8[%dma_wait3A_131] : memref<8x!tpu.dma_semaphore, #tpu.memory_space<semaphore_mem>> -> memref<1x!tpu.dma_semaphore, #tpu.memory_space<semaphore_mem>>
    %dma_wait3A_139 = tpu.memref_squeeze %dma_wait3A_138 : memref<1x!tpu.dma_semaphore, #tpu.memory_space<semaphore_mem>> -> memref<!tpu.dma_semaphore, #tpu.memory_space<semaphore_mem>>
    %dma_wait3A_140 = arith.constant 0 : i32
    %dma_wait3A_141 = tpu.memref_slice %arg4[%add3A_129, %dma_wait3A_140] : memref<819200x128xf32, #tpu.memory_space<hbm>> -> memref<64x128xf32, #tpu.memory_space<hbm>>
    %dma_wait3A_142 = arith.constant 0 : i32
    %dma_wait3A_143 = arith.constant 0 : i32
    %dma_wait3A_144 = tpu.memref_slice %arg6[%dma_wait3A_130, %dma_wait3A_142, %dma_wait3A_143] : memref<8x64x128xf32, #tpu.memory_space<vmem>> -> memref<1x64x128xf32, #tpu.memory_space<vmem>>
    %dma_wait3A_145 = tpu.memref_squeeze %dma_wait3A_144 : memref<1x64x128xf32, #tpu.memory_space<vmem>> -> memref<64x128xf32, #tpu.memory_space<vmem>>
    tpu.wait_dma2 semaphore(%dma_wait3A_139 : memref<!tpu.dma_semaphore, #tpu.memory_space<semaphore_mem>>) src(%dma_wait3A_145 : memref<64x128xf32, #tpu.memory_space<vmem>>) dst(%dma_wait3A_141 : memref<64x128xf32, #tpu.memory_space<hbm>>)
    %add3A_146 = arith.constant 25216 : i32
    %add3A_147 = arith.addi %mul3A_2, %add3A_146 : i32
    %dma_wait3A_148 = arith.constant 2 : i32
    %dma_wait3A_149 = arith.constant 2 : i32
    %dma_wait3A_150 = arith.constant 0 : i32
    %dma_wait3A_151 = arith.constant 0 : i32
    %dma_wait3A_152 = tpu.memref_slice %arg6[%dma_wait3A_148, %dma_wait3A_150, %dma_wait3A_151] : memref<8x64x128xf32, #tpu.memory_space<vmem>> -> memref<1x64x128xf32, #tpu.memory_space<vmem>>
    %dma_wait3A_153 = tpu.memref_squeeze %dma_wait3A_152 : memref<1x64x128xf32, #tpu.memory_space<vmem>> -> memref<64x128xf32, #tpu.memory_space<vmem>>
    %dma_wait3A_154 = arith.constant 0 : i32
    %dma_wait3A_155 = tpu.memref_slice %arg4[%add3A_147, %dma_wait3A_154] : memref<819200x128xf32, #tpu.memory_space<hbm>> -> memref<64x128xf32, #tpu.memory_space<hbm>>
    %dma_wait3A_156 = tpu.memref_slice %arg8[%dma_wait3A_149] : memref<8x!tpu.dma_semaphore, #tpu.memory_space<semaphore_mem>> -> memref<1x!tpu.dma_semaphore, #tpu.memory_space<semaphore_mem>>
    %dma_wait3A_157 = tpu.memref_squeeze %dma_wait3A_156 : memref<1x!tpu.dma_semaphore, #tpu.memory_space<semaphore_mem>> -> memref<!tpu.dma_semaphore, #tpu.memory_space<semaphore_mem>>
    %dma_wait3A_158 = arith.constant 0 : i32
    %dma_wait3A_159 = tpu.memref_slice %arg4[%add3A_147, %dma_wait3A_158] : memref<819200x128xf32, #tpu.memory_space<hbm>> -> memref<64x128xf32, #tpu.memory_space<hbm>>
    %dma_wait3A_160 = arith.constant 0 : i32
    %dma_wait3A_161 = arith.constant 0 : i32
    %dma_wait3A_162 = tpu.memref_slice %arg6[%dma_wait3A_148, %dma_wait3A_160, %dma_wait3A_161] : memref<8x64x128xf32, #tpu.memory_space<vmem>> -> memref<1x64x128xf32, #tpu.memory_space<vmem>>
    %dma_wait3A_163 = tpu.memref_squeeze %dma_wait3A_162 : memref<1x64x128xf32, #tpu.memory_space<vmem>> -> memref<64x128xf32, #tpu.memory_space<vmem>>
    tpu.wait_dma2 semaphore(%dma_wait3A_157 : memref<!tpu.dma_semaphore, #tpu.memory_space<semaphore_mem>>) src(%dma_wait3A_163 : memref<64x128xf32, #tpu.memory_space<vmem>>) dst(%dma_wait3A_159 : memref<64x128xf32, #tpu.memory_space<hbm>>)
    %add3A_164 = arith.constant 25280 : i32
    %add3A_165 = arith.addi %mul3A_2, %add3A_164 : i32
    %dma_wait3A_166 = arith.constant 3 : i32
    %dma_wait3A_167 = arith.constant 3 : i32
    %dma_wait3A_168 = arith.constant 0 : i32
    %dma_wait3A_169 = arith.constant 0 : i32
    %dma_wait3A_170 = tpu.memref_slice %arg6[%dma_wait3A_166, %dma_wait3A_168, %dma_wait3A_169] : memref<8x64x128xf32, #tpu.memory_space<vmem>> -> memref<1x64x128xf32, #tpu.memory_space<vmem>>
    %dma_wait3A_171 = tpu.memref_squeeze %dma_wait3A_170 : memref<1x64x128xf32, #tpu.memory_space<vmem>> -> memref<64x128xf32, #tpu.memory_space<vmem>>
    %dma_wait3A_172 = arith.constant 0 : i32
    %dma_wait3A_173 = tpu.memref_slice %arg4[%add3A_165, %dma_wait3A_172] : memref<819200x128xf32, #tpu.memory_space<hbm>> -> memref<64x128xf32, #tpu.memory_space<hbm>>
    %dma_wait3A_174 = tpu.memref_slice %arg8[%dma_wait3A_167] : memref<8x!tpu.dma_semaphore, #tpu.memory_space<semaphore_mem>> -> memref<1x!tpu.dma_semaphore, #tpu.memory_space<semaphore_mem>>
    %dma_wait3A_175 = tpu.memref_squeeze %dma_wait3A_174 : memref<1x!tpu.dma_semaphore, #tpu.memory_space<semaphore_mem>> -> memref<!tpu.dma_semaphore, #tpu.memory_space<semaphore_mem>>
    %dma_wait3A_176 = arith.constant 0 : i32
    %dma_wait3A_177 = tpu.memref_slice %arg4[%add3A_165, %dma_wait3A_176] : memref<819200x128xf32, #tpu.memory_space<hbm>> -> memref<64x128xf32, #tpu.memory_space<hbm>>
    %dma_wait3A_178 = arith.constant 0 : i32
    %dma_wait3A_179 = arith.constant 0 : i32
    %dma_wait3A_180 = tpu.memref_slice %arg6[%dma_wait3A_166, %dma_wait3A_178, %dma_wait3A_179] : memref<8x64x128xf32, #tpu.memory_space<vmem>> -> memref<1x64x128xf32, #tpu.memory_space<vmem>>
    %dma_wait3A_181 = tpu.memref_squeeze %dma_wait3A_180 : memref<1x64x128xf32, #tpu.memory_space<vmem>> -> memref<64x128xf32, #tpu.memory_space<vmem>>
    tpu.wait_dma2 semaphore(%dma_wait3A_175 : memref<!tpu.dma_semaphore, #tpu.memory_space<semaphore_mem>>) src(%dma_wait3A_181 : memref<64x128xf32, #tpu.memory_space<vmem>>) dst(%dma_wait3A_177 : memref<64x128xf32, #tpu.memory_space<hbm>>)
    %add3A_182 = arith.constant 25344 : i32
    %add3A_183 = arith.addi %mul3A_2, %add3A_182 : i32
    %dma_wait3A_184 = arith.constant 4 : i32
    %dma_wait3A_185 = arith.constant 4 : i32
    %dma_wait3A_186 = arith.constant 0 : i32
    %dma_wait3A_187 = arith.constant 0 : i32
    %dma_wait3A_188 = tpu.memref_slice %arg6[%dma_wait3A_184, %dma_wait3A_186, %dma_wait3A_187] : memref<8x64x128xf32, #tpu.memory_space<vmem>> -> memref<1x64x128xf32, #tpu.memory_space<vmem>>
    %dma_wait3A_189 = tpu.memref_squeeze %dma_wait3A_188 : memref<1x64x128xf32, #tpu.memory_space<vmem>> -> memref<64x128xf32, #tpu.memory_space<vmem>>
    %dma_wait3A_190 = arith.constant 0 : i32
    %dma_wait3A_191 = tpu.memref_slice %arg4[%add3A_183, %dma_wait3A_190] : memref<819200x128xf32, #tpu.memory_space<hbm>> -> memref<64x128xf32, #tpu.memory_space<hbm>>
    %dma_wait3A_192 = tpu.memref_slice %arg8[%dma_wait3A_185] : memref<8x!tpu.dma_semaphore, #tpu.memory_space<semaphore_mem>> -> memref<1x!tpu.dma_semaphore, #tpu.memory_space<semaphore_mem>>
    %dma_wait3A_193 = tpu.memref_squeeze %dma_wait3A_192 : memref<1x!tpu.dma_semaphore, #tpu.memory_space<semaphore_mem>> -> memref<!tpu.dma_semaphore, #tpu.memory_space<semaphore_mem>>
    %dma_wait3A_194 = arith.constant 0 : i32
    %dma_wait3A_195 = tpu.memref_slice %arg4[%add3A_183, %dma_wait3A_194] : memref<819200x128xf32, #tpu.memory_space<hbm>> -> memref<64x128xf32, #tpu.memory_space<hbm>>
    %dma_wait3A_196 = arith.constant 0 : i32
    %dma_wait3A_197 = arith.constant 0 : i32
    %dma_wait3A_198 = tpu.memref_slice %arg6[%dma_wait3A_184, %dma_wait3A_196, %dma_wait3A_197] : memref<8x64x128xf32, #tpu.memory_space<vmem>> -> memref<1x64x128xf32, #tpu.memory_space<vmem>>
    %dma_wait3A_199 = tpu.memref_squeeze %dma_wait3A_198 : memref<1x64x128xf32, #tpu.memory_space<vmem>> -> memref<64x128xf32, #tpu.memory_space<vmem>>
    tpu.wait_dma2 semaphore(%dma_wait3A_193 : memref<!tpu.dma_semaphore, #tpu.memory_space<semaphore_mem>>) src(%dma_wait3A_199 : memref<64x128xf32, #tpu.memory_space<vmem>>) dst(%dma_wait3A_195 : memref<64x128xf32, #tpu.memory_space<hbm>>)
    %add3A_200 = arith.constant 25408 : i32
    %add3A_201 = arith.addi %mul3A_2, %add3A_200 : i32
    %dma_wait3A_202 = arith.constant 5 : i32
    %dma_wait3A_203 = arith.constant 5 : i32
    %dma_wait3A_204 = arith.constant 0 : i32
    %dma_wait3A_205 = arith.constant 0 : i32
    %dma_wait3A_206 = tpu.memref_slice %arg6[%dma_wait3A_202, %dma_wait3A_204, %dma_wait3A_205] : memref<8x64x128xf32, #tpu.memory_space<vmem>> -> memref<1x64x128xf32, #tpu.memory_space<vmem>>
    %dma_wait3A_207 = tpu.memref_squeeze %dma_wait3A_206 : memref<1x64x128xf32, #tpu.memory_space<vmem>> -> memref<64x128xf32, #tpu.memory_space<vmem>>
    %dma_wait3A_208 = arith.constant 0 : i32
    %dma_wait3A_209 = tpu.memref_slice %arg4[%add3A_201, %dma_wait3A_208] : memref<819200x128xf32, #tpu.memory_space<hbm>> -> memref<64x128xf32, #tpu.memory_space<hbm>>
    %dma_wait3A_210 = tpu.memref_slice %arg8[%dma_wait3A_203] : memref<8x!tpu.dma_semaphore, #tpu.memory_space<semaphore_mem>> -> memref<1x!tpu.dma_semaphore, #tpu.memory_space<semaphore_mem>>
    %dma_wait3A_211 = tpu.memref_squeeze %dma_wait3A_210 : memref<1x!tpu.dma_semaphore, #tpu.memory_space<semaphore_mem>> -> memref<!tpu.dma_semaphore, #tpu.memory_space<semaphore_mem>>
    %dma_wait3A_212 = arith.constant 0 : i32
    %dma_wait3A_213 = tpu.memref_slice %arg4[%add3A_201, %dma_wait3A_212] : memref<819200x128xf32, #tpu.memory_space<hbm>> -> memref<64x128xf32, #tpu.memory_space<hbm>>
    %dma_wait3A_214 = arith.constant 0 : i32
    %dma_wait3A_215 = arith.constant 0 : i32
    %dma_wait3A_216 = tpu.memref_slice %arg6[%dma_wait3A_202, %dma_wait3A_214, %dma_wait3A_215] : memref<8x64x128xf32, #tpu.memory_space<vmem>> -> memref<1x64x128xf32, #tpu.memory_space<vmem>>
    %dma_wait3A_217 = tpu.memref_squeeze %dma_wait3A_216 : memref<1x64x128xf32, #tpu.memory_space<vmem>> -> memref<64x128xf32, #tpu.memory_space<vmem>>
    tpu.wait_dma2 semaphore(%dma_wait3A_211 : memref<!tpu.dma_semaphore, #tpu.memory_space<semaphore_mem>>) src(%dma_wait3A_217 : memref<64x128xf32, #tpu.memory_space<vmem>>) dst(%dma_wait3A_213 : memref<64x128xf32, #tpu.memory_space<hbm>>)
    %add3A_218 = arith.constant 25472 : i32
    %add3A_219 = arith.addi %mul3A_2, %add3A_218 : i32
    %dma_wait3A_220 = arith.constant 6 : i32
    %dma_wait3A_221 = arith.constant 6 : i32
    %dma_wait3A_222 = arith.constant 0 : i32
    %dma_wait3A_223 = arith.constant 0 : i32
    %dma_wait3A_224 = tpu.memref_slice %arg6[%dma_wait3A_220, %dma_wait3A_222, %dma_wait3A_223] : memref<8x64x128xf32, #tpu.memory_space<vmem>> -> memref<1x64x128xf32, #tpu.memory_space<vmem>>
    %dma_wait3A_225 = tpu.memref_squeeze %dma_wait3A_224 : memref<1x64x128xf32, #tpu.memory_space<vmem>> -> memref<64x128xf32, #tpu.memory_space<vmem>>
    %dma_wait3A_226 = arith.constant 0 : i32
    %dma_wait3A_227 = tpu.memref_slice %arg4[%add3A_219, %dma_wait3A_226] : memref<819200x128xf32, #tpu.memory_space<hbm>> -> memref<64x128xf32, #tpu.memory_space<hbm>>
    %dma_wait3A_228 = tpu.memref_slice %arg8[%dma_wait3A_221] : memref<8x!tpu.dma_semaphore, #tpu.memory_space<semaphore_mem>> -> memref<1x!tpu.dma_semaphore, #tpu.memory_space<semaphore_mem>>
    %dma_wait3A_229 = tpu.memref_squeeze %dma_wait3A_228 : memref<1x!tpu.dma_semaphore, #tpu.memory_space<semaphore_mem>> -> memref<!tpu.dma_semaphore, #tpu.memory_space<semaphore_mem>>
    %dma_wait3A_230 = arith.constant 0 : i32
    %dma_wait3A_231 = tpu.memref_slice %arg4[%add3A_219, %dma_wait3A_230] : memref<819200x128xf32, #tpu.memory_space<hbm>> -> memref<64x128xf32, #tpu.memory_space<hbm>>
    %dma_wait3A_232 = arith.constant 0 : i32
    %dma_wait3A_233 = arith.constant 0 : i32
    %dma_wait3A_234 = tpu.memref_slice %arg6[%dma_wait3A_220, %dma_wait3A_232, %dma_wait3A_233] : memref<8x64x128xf32, #tpu.memory_space<vmem>> -> memref<1x64x128xf32, #tpu.memory_space<vmem>>
    %dma_wait3A_235 = tpu.memref_squeeze %dma_wait3A_234 : memref<1x64x128xf32, #tpu.memory_space<vmem>> -> memref<64x128xf32, #tpu.memory_space<vmem>>
    tpu.wait_dma2 semaphore(%dma_wait3A_229 : memref<!tpu.dma_semaphore, #tpu.memory_space<semaphore_mem>>) src(%dma_wait3A_235 : memref<64x128xf32, #tpu.memory_space<vmem>>) dst(%dma_wait3A_231 : memref<64x128xf32, #tpu.memory_space<hbm>>)
    %add3A_236 = arith.constant 25536 : i32
    %add3A_237 = arith.addi %mul3A_2, %add3A_236 : i32
    %dma_wait3A_238 = arith.constant 7 : i32
    %dma_wait3A_239 = arith.constant 7 : i32
    %dma_wait3A_240 = arith.constant 0 : i32
    %dma_wait3A_241 = arith.constant 0 : i32
    %dma_wait3A_242 = tpu.memref_slice %arg6[%dma_wait3A_238, %dma_wait3A_240, %dma_wait3A_241] : memref<8x64x128xf32, #tpu.memory_space<vmem>> -> memref<1x64x128xf32, #tpu.memory_space<vmem>>
    %dma_wait3A_243 = tpu.memref_squeeze %dma_wait3A_242 : memref<1x64x128xf32, #tpu.memory_space<vmem>> -> memref<64x128xf32, #tpu.memory_space<vmem>>
    %dma_wait3A_244 = arith.constant 0 : i32
    %dma_wait3A_245 = tpu.memref_slice %arg4[%add3A_237, %dma_wait3A_244] : memref<819200x128xf32, #tpu.memory_space<hbm>> -> memref<64x128xf32, #tpu.memory_space<hbm>>
    %dma_wait3A_246 = tpu.memref_slice %arg8[%dma_wait3A_239] : memref<8x!tpu.dma_semaphore, #tpu.memory_space<semaphore_mem>> -> memref<1x!tpu.dma_semaphore, #tpu.memory_space<semaphore_mem>>
    %dma_wait3A_247 = tpu.memref_squeeze %dma_wait3A_246 : memref<1x!tpu.dma_semaphore, #tpu.memory_space<semaphore_mem>> -> memref<!tpu.dma_semaphore, #tpu.memory_space<semaphore_mem>>
    %dma_wait3A_248 = arith.constant 0 : i32
    %dma_wait3A_249 = tpu.memref_slice %arg4[%add3A_237, %dma_wait3A_248] : memref<819200x128xf32, #tpu.memory_space<hbm>> -> memref<64x128xf32, #tpu.memory_space<hbm>>
    %dma_wait3A_250 = arith.constant 0 : i32
    %dma_wait3A_251 = arith.constant 0 : i32
    %dma_wait3A_252 = tpu.memref_slice %arg6[%dma_wait3A_238, %dma_wait3A_250, %dma_wait3A_251] : memref<8x64x128xf32, #tpu.memory_space<vmem>> -> memref<1x64x128xf32, #tpu.memory_space<vmem>>
    %dma_wait3A_253 = tpu.memref_squeeze %dma_wait3A_252 : memref<1x64x128xf32, #tpu.memory_space<vmem>> -> memref<64x128xf32, #tpu.memory_space<vmem>>
    tpu.wait_dma2 semaphore(%dma_wait3A_247 : memref<!tpu.dma_semaphore, #tpu.memory_space<semaphore_mem>>) src(%dma_wait3A_253 : memref<64x128xf32, #tpu.memory_space<vmem>>) dst(%dma_wait3A_249 : memref<64x128xf32, #tpu.memory_space<hbm>>)
    return
  }
}

</mosaic_0001>

<sc_bundles>
// kernel: kernel.3.cloned.1.call-start
scs
__scs_entry_jumppad:
0x0: {  	(pc) =	sbr.rel $0x88, $3  }
0x1: {  	(tag) =	ssettag $0x0;
	lr =	simm.s32 $0x1  }
0x2: {  	[smem:$0x3F9F] =	sst lr;
	_ =	strace $0xD0000000  }
0x3: {  	_ = 	snop  }
0x4: {  	_ = 	snop  }
0x5: {  	_ = 	snop  }
0x6: {  	_ = 	snop  }
0x7: {  	_ = 	snop  }
__scs_overlays_trampoline_lowered:
0x8: {  	[smem:$0x3FAE] =	sst s0  }
0x9: {  	[smem:$0x3FAF] =	sst s1  }
0xa: {  	[smem:$0x3FB0] =	sst s2  }
0xb: {  	[smem:$0x3FB1] =	sst s3  }
0xc: {  	[smem:$0x3FB2] =	sst s4  }
0xd: {  	[smem:$0x3FB3] =	sst s5  }
0xe: {  	[smem:$0x3FB4] =	sst s6  }
0xf: {  	[smem:$0x3FB5] =	sst s7  }
0x10: {  	[smem:$0x3FB6] =	sst s8  }
0x11: {  	[smem:$0x3FB7] =	sst s9;
	s0 =	simm.s32 @!p0 $0x0  }
0x12: {  	s1 =	sld [smem:$0x3F9D];
	s0 =	simm.s32 @p0 $0x1  }
0x13: {  	[smem:$0x3FB8] =	sst s0;
	s0 =	simm.s32 @!p1 $0x0  }
0x14: {  	s2 =	sld [smem:$0x3F9C];
	s0 =	simm.s32 @p1 $0x1  }
0x15: {  	[smem:$0x3FB9] =	sst s0;
	s0 =	simm.s32 @!p2 $0x0  }
0x16: {  	s3 =	sld [smem:$0x3FDB];
	s0 =	simm.s32 @p2 $0x1  }
0x17: {  	s4 =	simm.s32 $0x1BF5;
	[smem:$0x3FBB] =	sst s0  }
0x18: {  	s0 =	sld [smem:$0x3F9E];
	_ =	swait.ge [sflag:s4], $0x0  }
0x19: {  	s7 =	sld [smem:$0x3F9F]  }
0x1a: {  	s8 =	sadd.s32 $0xFFFFE003, lr  }
0x1b: {  	s9 =	sadd.s32 $0xFFFFFEF7, lr;
	s5 =	simm.s32 $0xFFFFFFFF;
	p2 =	slt.u32 s8, $0xFFFFF086  }
0x1c: {  	p1 =	slt.u32 s9, $0xF7A;
	s5 =	simm.s32 @!p2 $0x0  }
0x1d: {  	s5 =	simm.s32 @p1 $0x1;
	p0 =	seq.s32 s7, s2  }
0x1e: {  	s7 =	smul.u32 @!p0 $0xF7A, s2;
	p2 =	seq.s32 @!p0 s5, $0x0  }
0x1f: {  	s9 =	smul.u32 $0xF7A, s1;
	s8 =	simm.s32 @!p0 $0x1BF5;
	p2 =	por !p2, p0  }
0x20: {  	[sflag:s8] =	ssyncset.s32 @!p0 $0xFFFFF086;
	s6 =	sadd.s32 @!p0 s3, s7;
	s7 =	simm.s32 @!p0 $0x108  }
0x21: {  	s3 =	sadd.s32 s3, s9;
	s6 =	sadd.s32 @!p0 $0x88, s6;
	s7 =	simm.s32 @p2 $0x1082  }
0x22: {  	[simem:s7], [sflag:s8] =	dma.local @!p0 [hbm:s6], $0xF7A  }
0x23: {  	s9 =	sor.u32 $0xD0000000, s2;
	s6 =	simm.s32 $0x108;
	_ =	swait.ge @!p0 [sflag:s8], $0x0  }
0x24: {  	s3 =	sadd.s32 $0x88, s3;
	s6 =	simm.s32 @!p1 $0x1082;
	[sflag:s4] =	ssyncset.s32 $0xFFFFF086  }
0x25: {  	[simem:s6], [sflag:s4] =	dma.local [hbm:s3], $0xF7A  }
0x26: {  	[smem:$0x3F9F] =	sst s1;
	(tag) =	ssettag s2;
	_ =	strace s9  }
0x27: {  	s1 =	sld [smem:$0x3FAF]  }
0x28: {  	s2 =	sld [smem:$0x3FB0]  }
0x29: {  	s4 =	sld [smem:$0x3FB2]  }
0x2a: {  	p0 =	seq.s32 s5, $0x0;
	s5 =	sld [smem:$0x3FB3]  }
0x2b: {  	s6 =	sld [smem:$0x3FB4]  }
0x2c: {  	s7 =	sld [smem:$0x3FB5]  }
0x2d: {  	s3 =	simm.s32 $0x108;
	s8 =	sld [smem:$0x3FB6]  }
0x2e: {  	s3 =	simm.s32 @!p0 $0x1082;
	s9 =	sld [smem:$0x3FB7]  }
0x2f: {  	lr =	sadd.s32 s0, s3;
	s0 =	sld [smem:$0x3FAE]  }
0x30: {  	s3 =	sld [smem:$0x3FB1]  }
0x31: {  	[smem:$0x3FBA] =	sst s10  }
0x32: {  	s10 =	sld [smem:$0x3FB8];
	_ =	sdelay $0x3  }
0x33: {  	p0 =	seq.s32 s10, $0x1;
	s10 =	sld [smem:$0x3FBA];
	_ =	sdelay $0x3  }
0x34: {  	[smem:$0x3FBA] =	sst s10  }
0x35: {  	s10 =	sld [smem:$0x3FB9];
	_ =	sdelay $0x3  }
0x36: {  	p1 =	seq.s32 s10, $0x1;
	s10 =	sld [smem:$0x3FBA];
	_ =	sdelay $0x3  }
0x37: {  	[smem:$0x3FBA] =	sst s10  }
0x38: {  	s10 =	sld [smem:$0x3FBB]  }
0x39: {  	_ = 	snop;
	(pc) =	sbr.ind lr, $3  }
0x3a: {  	_ = 	snop  }
0x3b: {  	_ = 	snop  }
0x3c: {  	p2 =	seq.s32 s10, $0x1;
	s10 =	sld [smem:$0x3FBA]  }
0x3d: {  	_ =	shalt  }
0x3e: {  	_ =	shalt  }
0x3f: {  	_ =	shalt  }
0x40: {  	_ =	shalt  }
0x41: {  	_ =	shalt  }
0x42: {  	_ =	shalt  }
0x43: {  	_ =	shalt  }
0x44: {  	_ =	shalt  }
0x45: {  	_ =	shalt  }
0x46: {  	_ =	shalt  }
0x47: {  	_ =	shalt  }
0x48: {  	_ =	shalt  }
0x49: {  	_ =	shalt  }
0x4a: {  	_ =	shalt  }
0x4b: {  	_ =	shalt  }
0x4c: {  	_ =	shalt  }
0x4d: {  	_ =	shalt  }
0x4e: {  	_ =	shalt  }
0x4f: {  	_ =	shalt  }
0x50: {  	_ =	shalt  }
0x51: {  	_ =	shalt  }
0x52: {  	_ =	shalt  }
0x53: {  	_ =	shalt  }
0x54: {  	_ =	shalt  }
0x55: {  	_ =	shalt  }
0x56: {  	_ =	shalt  }
0x57: {  	_ =	shalt  }
0x58: {  	_ =	shalt  }
0x59: {  	_ =	shalt  }
0x5a: {  	_ =	shalt  }
0x5b: {  	_ =	shalt  }
0x5c: {  	_ =	shalt  }
0x5d: {  	_ =	shalt  }
0x5e: {  	_ =	shalt  }
0x5f: {  	_ =	shalt  }
0x60: {  	_ =	shalt  }
0x61: {  	_ =	shalt  }
0x62: {  	_ =	shalt  }
0x63: {  	_ =	shalt  }
0x64: {  	_ =	shalt  }
0x65: {  	_ =	shalt  }
0x66: {  	_ =	shalt  }
0x67: {  	_ =	shalt  }
0x68: {  	_ =	shalt  }
0x69: {  	_ =	shalt  }
0x6a: {  	_ =	shalt  }
0x6b: {  	_ =	shalt  }
0x6c: {  	_ =	shalt  }
0x6d: {  	_ =	shalt  }
0x6e: {  	_ =	shalt  }
0x6f: {  	_ =	shalt  }
0x70: {  	_ =	shalt  }
0x71: {  	_ =	shalt  }
0x72: {  	_ =	shalt  }
0x73: {  	_ =	shalt  }
0x74: {  	_ =	shalt  }
0x75: {  	_ =	shalt  }
0x76: {  	_ =	shalt  }
0x77: {  	_ =	shalt  }
0x78: {  	_ =	shalt  }
0x79: {  	_ =	shalt  }
0x7a: {  	_ =	shalt  }
0x7b: {  	_ =	shalt  }
0x7c: {  	_ =	shalt  }
0x7d: {  	_ =	shalt  }
0x7e: {  	_ =	shalt  }
0x7f: {  	_ =	shalt  }
0x80: {  	_ =	shalt  }
0x81: {  	_ =	shalt  }
0x82: {  	_ =	shalt  }
0x83: {  	_ =	shalt  }
0x84: {  	_ =	shalt  }
0x85: {  	_ =	shalt  }
0x86: {  	_ =	shalt  }
0x87: {  	_ =	shalt  }
.Lfunc_end0:
.L_simem_size_0:
called_computation.1_lowered:
.L_overlay_start_0:
0x88: {  	s2 =	sld [smem:$0x3FD9]  }
0x89: {  	s3 =	sld [smem:$0x3FFE];
	_ =	sdelay $0x1  }
0x8a: {  	s1 =	srdreg.scid  }
0x8b: {  	s0 =	sand.u32 $0x1, s1  }
0x8c: {  	s17 =	sshll.u32 s0, $0xA;
	s2 =	sadd.s32 s3, s2  }
0x8d: {  	s2 =	sadd.s32 s2, s17  }
0x8e: {  	[smem:$0x3FC6] =	sst s2  }
0x8f: {  	_ = 	snop  }
0x90: {  	s2 =	sld [smem:$0x3FD0];
	(tm) =	ssettm $0x1  }
0x91: {  	s18 =	sld [smem:$0x3FFB];
	_ =	sdelay $0x3  }
0x92: {  	_ =	strace s18  }
0x93: {  	s3 =	sld [smem:$0x3FFC];
	_ =	sdelay $0x3  }
0x94: {  	_ =	strace s3  }
0x95: {  	s3 =	sld [smem:$0x3FFD];
	_ =	sdelay $0x3  }
0x96: {  	_ =	strace s3  }
0x97: {  	_ =	strace $0x8FFFFFFF  }
0x98: {  	s19 =	sld [smem:$0x3FDB];
	_ =	sdelay $0x1  }
0x99: {  	s4 =	simm.s32 $_scs_section_size  }
0x9a: {  	s5 =	simm.s32 $_size__tile_overlayer_lowered;
	s6 =	simm.s32 $_tile_overlayer_lowered  }
0x9b: {  	s22 =	simm.s32 $0x1BFF;
	s21 =	sshll.u32 s6, $0x1;
	s3 =	sadd.s32 s4, s19  }
0x9c: {  	s7 =	simm.s32 $0x0;
	s20 =	sshll.u32 s5, $0x1;
	s5 =	sadd.s32 s21, s3  }
0x9d: {  	[timem:s7], [sflag:s22] =	dma.local [hbm:s5], s20  }
0x9e: {  	_ =	swait.ge [sflag:s22], s20  }
0x9f: {  	s4 =	ssub.s32 $0x0, s20;
	[sflag:s22] =	ssyncset.done $0x0  }
0xa0: {  	[sflag:s22] =	ssyncadd.s32 s4;
	_ =	sdelay $0x1  }
0xa1: {  	s23 =	simm.s32 $0x1B8B  }
0xa2: {  	_ =	swait.ge [sflag:s23], $0x1  }
0xa3: {  	[sflag:s23] =	ssyncset.done $0x0  }
0xa4: {  	s25 =	simm.s32 $0x1B8E;
	s24 =	sld [smem:$0x3FFE];
	[sflag:s23] =	ssyncadd.s32 $0xFFFFFFFF  }
0xa5: {  	s26 =	simm.s32 $execute0_lowered;
	[smem:$0x3FD2] =	sst s25  }
0xa6: {  	s5 =	sshll.u32 s26, $0x1;
	_ =	strace $0x80000046;
	[dreg:$0x1] =	wrdreg $0xFFFFFFFF  }
0xa7: {  	s28 =	simm.s32 $_size_execute0_lowered;
	s3 =	sadd.s32 s3, s5;
	[dreg:$0x0] =	wrdreg $0x0  }
0xa8: {  	s5 =	sshll.u32 s28, $0x1;
	[dreg:$0x2] =	wrdreg s3  }
0xa9: {  	[dreg:$0x3] =	wrdreg s5  }
0xaa: {  	[dreg:$0x4] =	wrdreg $0xC0  }
0xab: {  	_ =	task [dreg:s7], $0x5FFFF  }
0xac: {  	[dreg:$0x1] =	wrdreg $0xFFFFFFFF  }
0xad: {  	[dreg:$0x0] =	wrdreg $0x60  }
0xae: {  	[dreg:$0x2] =	wrdreg s2  }
0xaf: {  	[dreg:$0x3] =	wrdreg s24  }
0xb0: {  	[dreg:$0x4] =	wrdreg $0x9  }
0xb1: {  	_ =	task.clear_ibuf [dreg:s7], $0x5FFFF;
	_ =	strace $0x90000046  }
0xb2: {  	s29 =	simm.s32 $0x9;
	_ =	strace $0x80000048  }
0xb3: {  	_ =	swait.ge [sflag:s29], $0x1  }
0xb4: {  	[sflag:s29] =	ssyncadd.s32 $0xFFFFFFFF  }
0xb5: {  	_ =	strace $0x90000048  }
0xb6: {  	_ =	sfence  }
0xb7: {  	s30 =	sld [smem:$0x0];
	_ =	sdelay $0x2  }
0xb8: {  	s31 =	sshll.u32 s1, $0xD;
	s1 =	sshrl.u32 s1, $0x2  }
0xb9: {  	s3 =	sand.u32 $0x4000, s31;
	s1 =	sadd.s32 s1, s30  }
0xba: {  	s0 =	sor.u32 s3, s0;
	s1 =	sshll.u32 s1, $0x11  }
0xbb: {  	s0 =	sor.u32 s1, s0  }
0xbc: {  	s0 =	sadd.s32 $0x8F2B, s0  }
0xbd: {  	[sflag:s0] =	ssyncadd.remote.s32 $0x1  }
0xbe: {  	_ =	sfence.sel $0xFFFF  }
0xbf: {  	[dreg:$0x0] =	wrdreg $0xFFFFFFFF;
	(pc) =	sbr.abs _section_cstart, $3  }
0xc0: {  	[dreg:$0x1] =	wrdreg $0xFFFFFFFF  }
0xc1: {  	_ =	task.clear_ibuf [dreg:s7], $0x2FFFF;
	_ =	strace $0x9FFFFFFF  }
0xc2: {  	(tm) =	ssettm $0x7FFFFFFF  }
0xc3: {  	_ =	shalt  }
tec
execute0_lowered:
.L_overlay_start_1:
0x0: {  	(tag) =	ssettag $0x1  }
0x1: {  	s0 =	rddreg [dreg:$0x0]  }
0x2: {  	s1 =	rddreg [dreg:$0x1];
	s2 =	simm.s32 $0x0;
	s3 =	srdreg.scid  }
0x3: {  	s10 =	stileid.u32;
	s14 =	simm.s32 $0x40;
	s15 =	simm.s32 $0x6400  }
0x4: {  	s16 =	simm.s32 $0x8400;
	s28 =	simm.s32 $0x14400;
	s29 =	simm.s32 $0x1  }
0x5: {  	s30 =	simm.s32 $0x2;
	s31 =	simm.s32 $0x4;
	[smem:$0x7FF] =	sst s2  }
0x6: {  	s4 =	sand.u32 $0x1, s3;
	s6 =	sshrl.u32 s10, $0x2;
	s20 =	smul.u32 $0x640000, s10  }
0x7: {  	s3 =	sadd.s32 $0x800, s1;
	s1 =	sadd.s32 $0xF42C00, s1;
	s24 =	smul.u32 $0xC8000, s10  }
0x8: {  	s18 =	sshll.u32 s10, $0x1;
	_ =	strace $0x80000047;
	s6 =	smul.u32 $0x32000, s6  }
0x9: {  	s5 =	sor.u32 s4, s18;
	s8 =	ssub.s32 $0x2, s4;
	s22 =	smul.u32 $0x320000, s4  }
0xa: {  	s4 =	smul.u32 $0x64000, s4;
	s7 =	sshll.u32 s5, $0x7;
	s9 =	sshrl.u32 s8, $0x1  }
0xb: {  	s5 =	smul.u32 $0x64000, s5;
	s26 =	sadd.s32 s24, s1;
	s24 =	simm.s32 $0xF  }
0xc: {  	s7 =	sand.u32 $0x380, s7;
	s19 =	ssub.s32 s8, s9;
	s10 =	sadd.s32 s4, s26  }
0xd: {  	s26 =	simm.s32 $0x0;
	s6 =	sor.u32 s6, s7;
	s21 =	sadd.s32 s1, s5  }
0xe: {  	s23 =	smax.u32 s19, $0x1;
	s5 =	sadd.s32 s22, s20;
	s19 =	simm.s32 $0xC400  }
.Ltmp0:
0xf: {  	s22 =	simm.s32 $0xE;
	s6 =	sshrl.u32 s6, $0x3;
	(pc) =	sbr.rel .LBB2_1-.Ltmp0, $4  }
0x10: {  	[dreg:$0x4] =	wrdreg s23;
	s7 =	sadd.s32 $0x63000, s21;
	s8 =	sadd.s32 $0x63800, s21  }
0x11: {  	s25 =	sshrl.u32 s5, $0x3;
	s23 =	simm.s32 $0x10400;
	s0 =	sadd.s32 s0, s6  }
0x12: {  	s6 =	sadd.s32 $0x62800, s21;
	s9 =	sadd.s32 s25, s1;
	s1 =	simm.s32 $0x8  }
0x13: {  	s25 =	simm.s32 $0x10;
	[dreg:$0x3] =	wrdreg s0;
	s0 =	simm.s32 $0x6  }
.LBB2_4:
0x14: {  	s4 =	simm.s32 $0x9  }
0x15: {  	_ =	swait.ge [sflag:s4], $0x2000  }
0x16: {  	[sflag:s4] =	ssyncset.done $0x0  }
0x17: {  	s13 =	simm.s32 $0xA;
	[sflag:s4] =	ssyncadd.s32 $0xFFFFE000  }
0x18: {  	_ =	swait.ge [sflag:s13], $0x2000  }
0x19: {  	[sflag:s13] =	ssyncset.done $0x0  }
0x1a: {  	s17 =	simm.s32 $0xB;
	[sflag:s13] =	ssyncadd.s32 $0xFFFFE000  }
0x1b: {  	_ =	swait.ge [sflag:s17], $0x2000  }
0x1c: {  	[sflag:s17] =	ssyncset.done $0x0  }
0x1d: {  	s18 =	simm.s32 $0xC;
	[sflag:s17] =	ssyncadd.s32 $0xFFFFE000  }
0x1e: {  	_ =	swait.ge [sflag:s18], $0x2000  }
0x1f: {  	[sflag:s18] =	ssyncset.done $0x0  }
0x20: {  	s20 =	simm.s32 $0xD;
	[sflag:s18] =	ssyncadd.s32 $0xFFFFE000  }
0x21: {  	_ =	swait.ge [sflag:s20], $0x2000  }
0x22: {  	[sflag:s20] =	ssyncset.done $0x0  }
0x23: {  	[sflag:s20] =	ssyncadd.s32 $0xFFFFE000  }
0x24: {  	_ =	swait.ge [sflag:s22], $0x2000  }
0x25: {  	[sflag:s22] =	ssyncset.done $0x0  }
0x26: {  	[sflag:s22] =	ssyncadd.s32 $0xFFFFE000  }
0x27: {  	_ =	swait.ge [sflag:s24], $0x2000  }
0x28: {  	[sflag:s24] =	ssyncset.done $0x0  }
0x29: {  	[sflag:s24] =	ssyncadd.s32 $0xFFFFE000  }
0x2a: {  	_ =	swait.ge [sflag:s25], $0x2000  }
0x2b: {  	s26 =	sadd.s32 $0x1, s26;
	s21 =	rddreg [dreg:$0x4]  }
0x2c: {  	p0 =	sne.s32 s26, s21  }
.Ltmp1:
0x2d: {  	_ = 	snop;
	(pc) =	sbr.rel @!p0 .LBB2_5-.Ltmp1, $3  }
0x2e: {  	_ =	sdelay $0x1  }
0x2f: {  	[sflag:s25] =	ssyncset.done $0x0  }
0x30: {  	[sflag:s25] =	ssyncadd.s32 $0xFFFFE000  }
.LBB2_1:
0x31: {  	s4 =	rddreg [dreg:$0x3]  }
0x32: {  	s5 =	simm.s32 $0x80;
	s11 =	simm.s32 $0x400;
	s20 =	simm.s32 $0x11  }
0x33: {  	[tilespmem:s2], [sflag:$0x11] =	stream.strided.gather [hbm4b:s4+s5], $0x6400, s11, s5, $0x38;
	[tilespmem:$0x16400] =	vst v63  }
0x34: {  	_ =	swait.ge [sflag:s20], $0x6400  }
0x35: {  	[sflag:s20] =	ssyncset.done $0x0  }
0x36: {  	[sflag:s20] =	ssyncadd.s32 $0xFFFF9C00  }
0x37: {  	[tilespmem:s15], [sflag:$0x1] =	stream.indirect.gather [hbm4b:s3+s14], $0x80, s2, s14, $0xb8;
	[tilespmem:$0x16400] =	vst v63  }
0x38: {  	_ = 	snop  }
0x39: {  	[tilespmem:s16], [sflag:$0x2] =	stream.indirect.gather [hbm4b:s3+s14], $0x80, s14, s14, $0xb8;
	[tilespmem:$0x16400] =	vst v63  }
0x3a: {  	s21 =	simm.s32 $0xA400  }
0x3b: {  	[tilespmem:s21], [sflag:$0x3] =	stream.indirect.gather [hbm4b:s3+s14], $0x80, s5, s14, $0xb8;
	[tilespmem:$0x16400] =	vst v63  }
0x3c: {  	s11 =	simm.s32 $0xC0  }
0x3d: {  	[tilespmem:s19], [sflag:$0x4] =	stream.indirect.gather [hbm4b:s3+s14], $0x80, s11, s14, $0xb8;
	[tilespmem:$0x16400] =	vst v63  }
0x3e: {  	s12 =	simm.s32 $0x100;
	s13 =	simm.s32 $0xE400  }
0x3f: {  	[tilespmem:s13], [sflag:$0x5] =	stream.indirect.gather [hbm4b:s3+s14], $0x80, s12, s14, $0xb8;
	[tilespmem:$0x16400] =	vst v63  }
0x40: {  	s17 =	simm.s32 $0x140  }
0x41: {  	[tilespmem:s23], [sflag:$0x6] =	stream.indirect.gather [hbm4b:s3+s14], $0x80, s17, s14, $0xb8;
	[tilespmem:$0x16400] =	vst v63  }
0x42: {  	s18 =	simm.s32 $0x180;
	s20 =	simm.s32 $0x12400  }
0x43: {  	[tilespmem:s20], [sflag:$0x7] =	stream.indirect.gather [hbm4b:s3+s14], $0x80, s18, s14, $0xb8;
	[tilespmem:$0x16400] =	vst v63  }
0x44: {  	s4 =	simm.s32 $0x200;
	s21 =	simm.s32 $0x1C0;
	s5 =	simm.s32 $0x0  }
0x45: {  	[tilespmem:s28], [sflag:$0x8] =	stream.indirect.gather [hbm4b:s3+s14], $0x80, s21, s14, $0xb8;
	[tilespmem:$0x16400] =	vst v63  }
.LBB2_2:
0x46: {  	_ =	swait.ge [sflag:s29], $0x2000  }
0x47: {  	[sflag:s29] =	ssyncset.done $0x0  }
0x48: {  	s11 =	sadd.s32 s5, s9;
	p0 =	seq.s32 s5, $0x62000;
	[sflag:s29] =	ssyncadd.s32 $0xFFFFE000  }
0x49: {  	[hbm4b:s11+s2] =	stream.linear.scatter [tilespmem:s15], [sflag:$0x9], $0x2000, $0x38;
	[tilespmem:$0x16400] =	vst v63  }
0x4a: {  	s11 =	simm.s32 @!p0 $0x9  }
0x4b: {  	_ =	swait.ge @!p0 [sflag:s11], $0x2000  }
0x4c: {  	[sflag:s11] =	ssyncset.done @!p0 $0x0  }
0x4d: {  	s12 =	simm.s32 @!p0 $0x6400;
	[sflag:s11] =	ssyncadd.s32 @!p0 $0xFFFFE000;
	s11 =	simm.s32 @!p0 $0x40  }
0x4e: {  	[tilespmem:s12], [sflag:$0x1] =	stream.indirect.gather @!p0 [hbm4b:s3+s11], $0x80, s4, s11, $0xb8;
	[tilespmem:$0x16400] =	vst v63  }
0x4f: {  	_ =	swait.ge [sflag:s30], $0x2000  }
0x50: {  	s13 =	sadd.s32 s5, s10;
	[sflag:s30] =	ssyncset.done $0x0  }
0x51: {  	s20 =	sadd.s32 $0x400, s13;
	s12 =	simm.s32 @p0 $0x3;
	[sflag:s30] =	ssyncadd.s32 $0xFFFFE000  }
0x52: {  	[hbm4b:s20+s2] =	stream.linear.scatter [tilespmem:s16], [sflag:$0xA], $0x2000, $0x38;
	[tilespmem:$0x16400] =	vst v63  }
0x53: {  	_ =	swait.ge @p0 [sflag:s12], $0x2000  }
0x54: {  	[sflag:s12] =	ssyncset.done @p0 $0x0  }
0x55: {  	s17 =	simm.s32 @p0 $0xA400;
	[sflag:s12] =	ssyncadd.s32 @p0 $0xFFFFE000;
	s12 =	simm.s32 @p0 $0x0  }
0x56: {  	[hbm4b:s6+s12] =	stream.linear.scatter @p0 [tilespmem:s17], [sflag:$0xB], $0x2000, $0x38;
	[tilespmem:$0x16400] =	vst v63  }
0x57: {  	s17 =	simm.s32 @!p0 $0xA  }
0x58: {  	_ =	swait.ge @!p0 [sflag:s17], $0x2000  }
0x59: {  	[sflag:s17] =	ssyncset.done @!p0 $0x0  }
0x5a: {  	s18 =	simm.s32 @!p0 $0x8400;
	[sflag:s17] =	ssyncadd.s32 @!p0 $0xFFFFE000;
	s17 =	sadd.s32 @!p0 $0x40, s4  }
0x5b: {  	[tilespmem:s18], [sflag:$0x2] =	stream.indirect.gather @!p0 [hbm4b:s3+s11], $0x80, s17, s11, $0xb8;
	[tilespmem:$0x16400] =	vst v63  }
0x5c: {  	s17 =	simm.s32 @!p0 $0x3  }
0x5d: {  	_ =	swait.ge @!p0 [sflag:s17], $0x2000  }
0x5e: {  	[sflag:s17] =	ssyncset.done @!p0 $0x0  }
0x5f: {  	[sflag:s17] =	ssyncadd.s32 @!p0 $0xFFFFE000;
	s17 =	sadd.s32 @!p0 s5, s10  }
0x60: {  	s21 =	simm.s32 @!p0 $0xA400;
	s18 =	simm.s32 @!p0 $0x0;
	s20 =	sadd.s32 @!p0 $0x800, s17  }
0x61: {  	[hbm4b:s20+s18] =	stream.linear.scatter @!p0 [tilespmem:s21], [sflag:$0xB], $0x2000, $0x38;
	[tilespmem:$0x16400] =	vst v63  }
0x62: {  	s20 =	simm.s32 @!p0 $0xB  }
0x63: {  	_ =	swait.ge @!p0 [sflag:s20], $0x2000  }
0x64: {  	[sflag:s20] =	ssyncset.done @!p0 $0x0  }
0x65: {  	[sflag:s20] =	ssyncadd.s32 @!p0 $0xFFFFE000;
	s20 =	sadd.s32 @!p0 $0x80, s4  }
0x66: {  	[tilespmem:s21], [sflag:$0x3] =	stream.indirect.gather @!p0 [hbm4b:s3+s11], $0x80, s20, s11, $0xb8;
	[tilespmem:$0x16400] =	vst v63  }
0x67: {  	_ =	swait.ge [sflag:s31], $0x2000  }
0x68: {  	[sflag:s31] =	ssyncset.done $0x0  }
0x69: {  	s21 =	sadd.s32 $0xC00, s13;
	s20 =	simm.s32 @p0 $0x5;
	[sflag:s31] =	ssyncadd.s32 $0xFFFFE000  }
0x6a: {  	[hbm4b:s21+s2] =	stream.linear.scatter [tilespmem:s19], [sflag:$0xC], $0x2000, $0x38;
	[tilespmem:$0x16400] =	vst v63  }
0x6b: {  	_ =	swait.ge @p0 [sflag:s20], $0x2000  }
0x6c: {  	[sflag:s20] =	ssyncset.done @p0 $0x0  }
0x6d: {  	[sflag:s20] =	ssyncadd.s32 @p0 $0xFFFFE000;
	s20 =	simm.s32 @p0 $0xE400  }
0x6e: {  	[hbm4b:s7+s12] =	stream.linear.scatter @p0 [tilespmem:s20], [sflag:$0xD], $0x2000, $0x38;
	[tilespmem:$0x16400] =	vst v63  }
0x6f: {  	s20 =	simm.s32 @!p0 $0xC  }
0x70: {  	_ =	swait.ge @!p0 [sflag:s20], $0x2000  }
0x71: {  	[sflag:s20] =	ssyncset.done @!p0 $0x0  }
0x72: {  	s21 =	simm.s32 @!p0 $0xC400;
	[sflag:s20] =	ssyncadd.s32 @!p0 $0xFFFFE000;
	s20 =	sadd.s32 @!p0 $0xC0, s4  }
0x73: {  	[tilespmem:s21], [sflag:$0x4] =	stream.indirect.gather @!p0 [hbm4b:s3+s11], $0x80, s20, s11, $0xb8;
	[tilespmem:$0x16400] =	vst v63  }
0x74: {  	s20 =	simm.s32 @!p0 $0x5  }
0x75: {  	_ =	swait.ge @!p0 [sflag:s20], $0x2000  }
0x76: {  	[sflag:s20] =	ssyncset.done @!p0 $0x0  }
0x77: {  	s21 =	simm.s32 @!p0 $0xE400;
	[sflag:s20] =	ssyncadd.s32 @!p0 $0xFFFFE000;
	s20 =	sadd.s32 @!p0 $0x1000, s17  }
0x78: {  	[hbm4b:s20+s18] =	stream.linear.scatter @!p0 [tilespmem:s21], [sflag:$0xD], $0x2000, $0x38;
	[tilespmem:$0x16400] =	vst v63  }
0x79: {  	s20 =	simm.s32 @!p0 $0xD  }
0x7a: {  	_ =	swait.ge @!p0 [sflag:s20], $0x2000  }
0x7b: {  	[sflag:s20] =	ssyncset.done @!p0 $0x0  }
0x7c: {  	[sflag:s20] =	ssyncadd.s32 @!p0 $0xFFFFE000;
	s20 =	sadd.s32 @!p0 $0x100, s4  }
0x7d: {  	[tilespmem:s21], [sflag:$0x5] =	stream.indirect.gather @!p0 [hbm4b:s3+s11], $0x80, s20, s11, $0xb8;
	[tilespmem:$0x16400] =	vst v63  }
0x7e: {  	_ =	swait.ge [sflag:s0], $0x2000  }
0x7f: {  	[sflag:s0] =	ssyncset.done $0x0  }
0x80: {  	s21 =	sadd.s32 $0x1400, s13;
	s20 =	simm.s32 @p0 $0x7;
	[sflag:s0] =	ssyncadd.s32 $0xFFFFE000  }
0x81: {  	[hbm4b:s21+s2] =	stream.linear.scatter [tilespmem:s23], [sflag:$0xE], $0x2000, $0x38;
	[tilespmem:$0x16400] =	vst v63  }
0x82: {  	_ =	swait.ge @p0 [sflag:s20], $0x2000  }
0x83: {  	[sflag:s20] =	ssyncset.done @p0 $0x0  }
0x84: {  	[sflag:s20] =	ssyncadd.s32 @p0 $0xFFFFE000;
	s20 =	simm.s32 @p0 $0x12400  }
0x85: {  	[hbm4b:s8+s12] =	stream.linear.scatter @p0 [tilespmem:s20], [sflag:$0xF], $0x2000, $0x38;
	[tilespmem:$0x16400] =	vst v63  }
0x86: {  	s12 =	simm.s32 @!p0 $0xE  }
0x87: {  	_ =	swait.ge @!p0 [sflag:s12], $0x2000  }
0x88: {  	[sflag:s12] =	ssyncset.done @!p0 $0x0  }
0x89: {  	s20 =	simm.s32 @!p0 $0x10400;
	[sflag:s12] =	ssyncadd.s32 @!p0 $0xFFFFE000;
	s12 =	sadd.s32 @!p0 $0x140, s4  }
0x8a: {  	[tilespmem:s20], [sflag:$0x6] =	stream.indirect.gather @!p0 [hbm4b:s3+s11], $0x80, s12, s11, $0xb8;
	[tilespmem:$0x16400] =	vst v63  }
0x8b: {  	s12 =	simm.s32 @!p0 $0x7  }
0x8c: {  	_ =	swait.ge @!p0 [sflag:s12], $0x2000  }
0x8d: {  	[sflag:s12] =	ssyncset.done @!p0 $0x0  }
0x8e: {  	[sflag:s12] =	ssyncadd.s32 @!p0 $0xFFFFE000;
	s12 =	sadd.s32 @!p0 $0x1800, s17;
	s17 =	simm.s32 @!p0 $0x12400  }
0x8f: {  	[hbm4b:s12+s18] =	stream.linear.scatter @!p0 [tilespmem:s17], [sflag:$0xF], $0x2000, $0x38;
	[tilespmem:$0x16400] =	vst v63  }
0x90: {  	s12 =	simm.s32 @!p0 $0xF  }
0x91: {  	_ =	swait.ge @!p0 [sflag:s12], $0x2000  }
0x92: {  	[sflag:s12] =	ssyncset.done @!p0 $0x0  }
0x93: {  	[sflag:s12] =	ssyncadd.s32 @!p0 $0xFFFFE000;
	s12 =	sadd.s32 @!p0 $0x180, s4  }
0x94: {  	[tilespmem:s17], [sflag:$0x7] =	stream.indirect.gather @!p0 [hbm4b:s3+s11], $0x80, s12, s11, $0xb8;
	[tilespmem:$0x16400] =	vst v63  }
.Ltmp2:
0x95: {  	_ = 	snop;
	(pc) =	sbr.rel @p0 .LBB2_4-.Ltmp2, $4  }
0x96: {  	_ =	swait.ge [sflag:s1], $0x2000  }
0x97: {  	[sflag:s1] =	ssyncset.done $0x0  }
0x98: {  	s21 =	sadd.s32 $0x1C00, s13;
	[sflag:s1] =	ssyncadd.s32 $0xFFFFE000  }
0x99: {  	[hbm4b:s21+s2] =	stream.linear.scatter [tilespmem:s28], [sflag:$0x10], $0x2000, $0x38;
	[tilespmem:$0x16400] =	vst v63  }
.Ltmp3:
0x9a: {  	(pc) =	sbr.rel .LBB2_2-.Ltmp3, $4  }
0x9b: {  	_ =	swait.ge [sflag:s25], $0x2000  }
0x9c: {  	s11 =	sadd.s32 $0x1C0, s4;
	[sflag:s25] =	ssyncset.done $0x0  }
0x9d: {  	s5 =	sadd.s32 $0x2000, s5;
	s4 =	sadd.s32 $0x200, s4;
	[sflag:s25] =	ssyncadd.s32 $0xFFFFE000  }
0x9e: {  	[tilespmem:s28], [sflag:$0x8] =	stream.indirect.gather [hbm4b:s3+s14], $0x80, s11, s14, $0xb8;
	[tilespmem:$0x16400] =	vst v63  }
.LBB2_5:
0x9f: {  	_ =	sfence.sel $0x180000  }
0xa0: {  	[bflag:$0x0] =	sbarrier.arrive $0xFFFF  }
0xa1: {  	_ =	strace $0x90000047  }
0xa2: {  	s0 =	stileid.u32;
	[bflag:$0x2] =	sbarrier.arrive $0xFFFF  }
0xa3: {  	p0 =	sne.s32 s0, $0x0;
	s0 =	rddreg [dreg:$0x2]  }
0xa4: {  	s0 =	sadd.s32 @!p0 $0x100000, s0  }
0xa5: {  	[sflag:s0] =	ssyncadd.tile.s32 @!p0 $0x1;
	_ =	shalt  }
.Lfunc_end2:
_tile_overlayer_lowered:
.L_overlay_start_2:
0xa6: {  	(tag) =	ssettag $0x2  }
0xa7: {  	s0 =	rddreg [dreg:$0x0];
	s2 =	stileid.u32  }
0xa8: {  	s1 =	rddreg [dreg:$0x1];
	p0 =	sne.s32 s2, $0x0  }
0xa9: {  	s3 =	rddreg [dreg:$0x2];
	[bflag:$0x3] =	sbarrier.arrive $0xFFFF;
	s2 =	simm.s32 @!p0 $0x1C11  }
0xaa: {  	[timem:s3], [sflag:s2] =	dma.local @!p0 [hbm:s0], s1  }
0xab: {  	s0 =	simm.s32 @!p0 $0x11  }
0xac: {  	_ =	swait.ge @!p0 [sflag:s0], s1  }
0xad: {  	s1 =	ssub.s32 @!p0 $0x0, s1;
	[sflag:s0] =	ssyncset.done @!p0 $0x0  }
0xae: {  	[sflag:s0] =	ssyncadd.s32 @!p0 s1  }
0xaf: {  	[bflag:$0x3] =	sbarrier.arrive $0xFFFF  }
0xb0: {  	_ =	shalt  }

// kernel: sparse-core-data-format-call.cloned.1.call-start
scs
called_computation_lowered:
.L_overlay_start_0:
0x0: {  	s2 =	sld [smem:$0x3FD9]  }
0x1: {  	s3 =	sld [smem:$0x3FFE];
	_ =	sdelay $0x1  }
0x2: {  	s1 =	srdreg.scid  }
0x3: {  	s0 =	sand.u32 $0x1, s1  }
0x4: {  	s18 =	sshll.u32 s0, $0xA;
	s2 =	sadd.s32 s3, s2  }
0x5: {  	s2 =	sadd.s32 s2, s18  }
0x6: {  	[smem:$0x3FC6] =	sst s2  }
0x7: {  	_ = 	snop  }
0x8: {  	s2 =	sld [smem:$0x3FD0];
	(tm) =	ssettm $0x1  }
0x9: {  	s19 =	sld [smem:$0x3FFB];
	_ =	sdelay $0x3  }
0xa: {  	_ =	strace s19  }
0xb: {  	s3 =	sld [smem:$0x3FFC];
	_ =	sdelay $0x3  }
0xc: {  	_ =	strace s3  }
0xd: {  	s3 =	sld [smem:$0x3FFD];
	_ =	sdelay $0x3  }
0xe: {  	_ =	strace s3  }
0xf: {  	_ =	strace $0x8FFFFFFF  }
0x10: {  	s20 =	sld [smem:$0x3FDB];
	_ =	sdelay $0x1  }
0x11: {  	s4 =	simm.s32 $_scs_section_size  }
0x12: {  	s5 =	simm.s32 $_size__tile_overlayer_lowered;
	s6 =	simm.s32 $_tile_overlayer_lowered  }
0x13: {  	s23 =	simm.s32 $0x1BFF;
	s22 =	sshll.u32 s6, $0x1;
	s3 =	sadd.s32 s4, s20  }
0x14: {  	s7 =	simm.s32 $0x0;
	s21 =	sshll.u32 s5, $0x1;
	s5 =	sadd.s32 s22, s3  }
0x15: {  	[timem:s7], [sflag:s23] =	dma.local [hbm:s5], s21  }
0x16: {  	_ =	swait.ge [sflag:s23], s21  }
0x17: {  	s4 =	ssub.s32 $0x0, s21;
	[sflag:s23] =	ssyncset.done $0x0  }
0x18: {  	[sflag:s23] =	ssyncadd.s32 s4;
	_ =	sdelay $0x1  }
0x19: {  	s24 =	simm.s32 $0x1B8B  }
0x1a: {  	_ =	swait.ge [sflag:s24], $0x1  }
0x1b: {  	[sflag:s24] =	ssyncset.done $0x0  }
0x1c: {  	s26 =	simm.s32 $0x1B8E;
	s25 =	sld [smem:$0x3FFE];
	[sflag:s24] =	ssyncadd.s32 $0xFFFFFFFF  }
0x1d: {  	s27 =	simm.s32 $execute0_lowered;
	[smem:$0x3FD2] =	sst s26  }
0x1e: {  	s5 =	sshll.u32 s27, $0x1;
	_ =	strace $0x80000049;
	[dreg:$0x1] =	wrdreg $0xFFFFFFFF  }
0x1f: {  	s28 =	simm.s32 $_size_execute0_lowered;
	s3 =	sadd.s32 s3, s5;
	[dreg:$0x0] =	wrdreg $0x0  }
0x20: {  	s5 =	sshll.u32 s28, $0x1;
	[dreg:$0x2] =	wrdreg s3  }
0x21: {  	[dreg:$0x3] =	wrdreg s5  }
0x22: {  	[dreg:$0x4] =	wrdreg $0xC0  }
0x23: {  	_ =	task [dreg:s7], $0x5FFFF  }
0x24: {  	[dreg:$0x1] =	wrdreg $0xFFFFFFFF  }
0x25: {  	[dreg:$0x0] =	wrdreg $0x60  }
0x26: {  	[dreg:$0x2] =	wrdreg s25  }
0x27: {  	[dreg:$0x3] =	wrdreg s2  }
0x28: {  	[dreg:$0x4] =	wrdreg $0x9  }
0x29: {  	_ =	task.clear_ibuf [dreg:s7], $0x5FFFF;
	_ =	strace $0x90000049  }
0x2a: {  	s29 =	simm.s32 $0x9;
	_ =	strace $0x8000004B  }
0x2b: {  	_ =	swait.ge [sflag:s29], $0x1  }
0x2c: {  	[sflag:s29] =	ssyncadd.s32 $0xFFFFFFFF  }
0x2d: {  	_ =	strace $0x9000004B  }
0x2e: {  	_ =	sfence  }
0x2f: {  	s30 =	sld [smem:$0x0];
	_ =	sdelay $0x2  }
0x30: {  	s31 =	sshll.u32 s1, $0xD;
	s1 =	sshrl.u32 s1, $0x2  }
0x31: {  	s3 =	sand.u32 $0x4000, s31;
	s1 =	sadd.s32 s1, s30  }
0x32: {  	s0 =	sor.u32 s3, s0;
	s1 =	sshll.u32 s1, $0x11  }
0x33: {  	s0 =	sor.u32 s1, s0  }
0x34: {  	s0 =	sadd.s32 $0x8F2B, s0  }
0x35: {  	[sflag:s0] =	ssyncadd.remote.s32 $0x1  }
0x36: {  	_ =	sfence.sel $0xFFFF  }
0x37: {  	[dreg:$0x0] =	wrdreg $0xFFFFFFFF;
	(pc) =	sbr.abs _section_cstart, $3  }
0x38: {  	[dreg:$0x1] =	wrdreg $0xFFFFFFFF  }
0x39: {  	_ =	task.clear_ibuf [dreg:s7], $0x2FFFF;
	_ =	strace $0x9FFFFFFF  }
0x3a: {  	(tm) =	ssettm $0x7FFFFFFF  }
0x3b: {  	_ =	shalt  }
tec
execute0_lowered:
.L_overlay_start_1:
0x0: {  	(tag) =	ssettag $0x1  }
0x1: {  	s0 =	srdreg.scid  }
0x2: {  	s1 =	sshll.u32 s0, $0x4  }
0x3: {  	s0 =	stileid.u32;
	s1 =	sand.u32 $0x10, s1  }
0x4: {  	s1 =	sor.u32 s0, s1  }
0x5: {  	s6 =	rddreg [dreg:$0x0];
	s4 =	simm.s32 $0x1;
	s2 =	sshll.u32 s1, $0x7  }
0x6: {  	s7 =	simm.s32 $0x2;
	s12 =	simm.s32 $0x0;
	s1 =	ssub.s32 $0x1000, s2  }
0x7: {  	s8 =	simm.s32 $0x8000;
	s13 =	simm.s32 $0x0;
	s3 =	sand.u32 $0xF80, s1  }
0x8: {  	s9 =	simm.s32 $0x0;
	s5 =	sshrl.u32 s1, $0xC;
	p0 =	sne.s32 s3, $0x0  }
.Ltmp0:
0x9: {  	s1 =	rddreg [dreg:$0x2];
	s4 =	simm.s32 @!p0 $0x0;
	(pc) =	sbr.rel .LBB1_1-.Ltmp0, $4  }
0xa: {  	s11 =	simm.s32 $0x0;
	s3 =	rddreg [dreg:$0x1];
	s5 =	sadd.s32 s4, s5  }
0xb: {  	_ =	strace $0x8000004A;
	s4 =	simm.s32 $0x1;
	s5 =	smul.u32 $0xC8, s5  }
0xc: {  	s6 =	sadd.s32 $0xF42C00, s6;
	s10 =	smov.u32 s2;
	[sflag:s4] =	ssyncpa.u1 $0x0  }
0xd: {  	p0 =	por $0x0, $0x0;
	[sflag:s7] =	ssyncpa.u1 $0x0;
	s7 =	sor.u32 $0x1, s5  }
.LBB1_4:
0xe: {  	s16 =	sshll.u32 s13, $0x3;
	s17 =	sand.u32 $0x78, s13  }
0xf: {  	s30 =	sand.u32 $0x7E00, s13;
	s12 =	sshll.u32 s12, $0xF;
	s16 =	sand.u32 $0xC00, s16  }
0x10: {  	[tilespmem:s15+$0x810 ss:$0x81] =	vst.msk $0xffff, v2;
	s31 =	sand.u32 $0x7, s13;
	s16 =	sor.u32 s17, s16;
	s17 =	sadd.s32 s3, s30  }
0x11: {  	[tilespmem:s15+$0x1020 ss:$0x81] =	vst.msk $0xffff, v0;
	s13 =	sshll.u32 s31, $0x12;
	s12 =	sadd.s32 s12, s17;
	s16 =	sshrl.u32 s16, $0x3  }
0x12: {  	[tilespmem:s15+$0x0 ss:$0x81] =	vst.msk $0xffff, v1;
	s13 =	sor.u32 $0x400, s13;
	s12 =	sadd.s32 s16, s12  }
0x13: {  	[hbm4b:s12+s13] =	stream.strided.scatter [tilespmem:s14], [sflag:$0x2], $0x2000, s8, s13, $0x20;
	[tilespmem:$0x8080] =	vst v63  }
.LBB1_5:
0x14: {  	s14 =	sadd.s32 $0x1, s9  }
0x15: {  	s12 =	sadd.s32 $0x1000, s10;
	s16 =	smov.u32 s10;
	p2 =	sgt.s32 s14, $0xC7  }
0x16: {  	s16 =	smov.u32 @p2 s12  }
0x17: {  	s14 =	simm.s32 @p2 $0x0;
	p2 =	sgt.s32 s16, $0xFFF  }
0x18: {  	s16 =	smov.u32 @p2 s2;
	p2 =	sne.s32 s11, s7  }
.Ltmp1:
0x19: {  	p1 =	slt.u32 s11, $0x2;
	(pc) =	sbr.rel @!p2 .LBB1_6-.Ltmp1, $4  }
0x1a: {  	s15 =	simm.s32 @!p1 $0x2  }
0x1b: {  	s13 =	smov.u32 s10;
	p0 =	por !p0, !p0;
	_ =	swait.ge @!p1 [sflag:s15], $0x2000  }
0x1c: {  	s12 =	smov.u32 s9;
	[sflag:s15] =	ssyncset.done @!p1 $0x0;
	s9 =	smov.u32 s14  }
0x1d: {  	s11 =	sadd.s32 $0x1, s11;
	[sflag:s15] =	ssyncadd.s32 @!p1 $0xFFFFE000;
	s10 =	smov.u32 s16  }
.LBB1_1:
0x1e: {  	p1 =	sge.u32 s11, s5  }
0x1f: {  	s14 =	sand.u32 @!p1 $0x1FFFFFF, s9  }
0x20: {  	s15 =	smulhi.u32 @!p1 $0x147AE15, s14;
	_ =	sdelay $0x1  }
0x21: {  	s15 =	smul.u32 @!p1 $0xC8, s15  }
0x22: {  	s16 =	sxor.u32 @!p1 $0xFFFFFFFF, s11;
	s17 =	smul.u32 @!p1 $0xC80, s10  }
0x23: {  	s31 =	sadd.s32 $0xFFFFFFFF, s11;
	s16 =	sshll.u32 @!p1 s16, $0xD;
	s14 =	ssub.s32 @!p1 s14, s15  }
0x24: {  	s15 =	sand.u32 @!p1 $0x2000, s16;
	s16 =	sadd.s32 @!p1 s6, s17;
	s14 =	sshll.u32 @!p1 s14, $0x4  }
0x25: {  	s17 =	simm.s32 @!p1 $0x6400;
	s14 =	sadd.s32 @!p1 s14, s16;
	s16 =	simm.s32 @!p1 $0x40  }
0x26: {  	[tilespmem:s15], [sflag:$0x1] =	stream.strided.gather @!p1 [hbm4b:s14+s16], $0x2000, s17, s16, $0x38;
	[tilespmem:$0x8080] =	vst v63  }
0x27: {  	p1 =	sge.u32 s31, s5  }
.Ltmp2:
0x28: {  	_ = 	snop;
	(pc) =	sbr.rel @p1 .LBB1_5-.Ltmp2, $1  }
0x29: {  	_ =	sdelay $0x3  }
0x2a: {  	s14 =	simm.s32 $0x1  }
0x2b: {  	_ =	swait.ge [sflag:s4], $0x2000;
	s14 =	simm.s32 @!p0 $0x0  }
0x2c: {  	[sflag:s4] =	ssyncset.done $0x0;
	s15 =	sshll.u32 s14, $0xD  }
0x2d: {  	[sflag:s4] =	ssyncadd.s32 $0xFFFFE000;
	s18 =	sor.u32 $0x20, s15  }
0x2e: {  	s14 =	smul.u32 $0x8100, s14;
	v3 =	vld [tilespmem:s18+$0x10]  }
0x2f: {  	s30 =	sand.u32 $0x1, s11;
	v2 =	vld [tilespmem:s18+$0xFFFFFFF0]  }
0x30: {  	s15 =	smul.u32 $0x8100, s30;
	s14 =	sshrl.u32 s14, $0x2;
	v0 =	vld [tilespmem:s18+$0x0]  }
0x31: {  	v1 =	vld [tilespmem:s18+$0xFFFFFFE0];
	s16 =	sor.u32 $0x4000, s14  }
0x32: {  	s31 =	sshrl.u32 s15, $0x2;
	s15 =	sadd.s32 $0x0, s16  }
0x33: {  	s17 =	simm.s32 $0x4;
	s18 =	sadd.s32 $0x40, s18;
	s14 =	sor.u32 $0x4000, s31;
	[tilespmem:s15+$0x1830 ss:$0x81] =	vst.msk $0xffff, v3  }
.LBB1_3:
0x34: {  	v3 =	vld [tilespmem:s18+$0x10];
	p1 =	sne.s32 s17, $0x1FC;
	[tilespmem:s15+$0x810 ss:$0x81] =	vst.msk $0xffff, v2;
	s19 =	smov.u32 s17;
	s17 =	sadd.s32 $0x4, s17  }
.Ltmp3:
0x35: {  	v2 =	vld [tilespmem:s18+$0xFFFFFFF0];
	[tilespmem:s15+$0x1020 ss:$0x81] =	vst.msk $0xffff, v0;
	(pc) =	sbr.rel @p1 .LBB1_3-.Ltmp3, $4  }
0x36: {  	v0 =	vld [tilespmem:s18+$0x0];
	[tilespmem:s15+$0x0 ss:$0x81] =	vst.msk $0xffff, v1  }
0x37: {  	s15 =	sshra.s32 s19, $0x2;
	v1 =	vld [tilespmem:s18+$0xFFFFFFE0]  }
0x38: {  	s15 =	sadd.s32 s15, s16  }
0x39: {  	s18 =	sadd.s32 $0x40, s18;
	[tilespmem:s15+$0x1830 ss:$0x81] =	vst.msk $0xffff, v3  }
.Ltmp4:
0x3a: {  	_ = 	snop;
	(pc) =	sbr.rel .LBB1_4-.Ltmp4, $1  }
0x3b: {  	_ =	sdelay $0x3  }
.LBB1_6:
0x3c: {  	_ =	sfence.sel $0x180000  }
0x3d: {  	s2 =	simm.s32 $0x1;
	[bflag:$0x0] =	sbarrier.arrive $0xFFFF  }
0x3e: {  	s31 =	simm.s32 $0x2;
	[sflag:s2] =	ssyncpa.u1 $0x1  }
0x3f: {  	[sflag:s31] =	ssyncpa.u1 $0x1  }
0x40: {  	p0 =	sne.s32 s0, $0x0;
	_ =	strace $0x9000004A  }
0x41: {  	s0 =	sadd.s32 @!p0 $0x100000, s1;
	[bflag:$0x2] =	sbarrier.arrive $0xFFFF  }
0x42: {  	[sflag:s0] =	ssyncadd.tile.s32 @!p0 $0x1;
	_ =	shalt  }
.Lfunc_end1:
_tile_overlayer_lowered:
.L_overlay_start_2:
0x43: {  	(tag) =	ssettag $0x2  }
0x44: {  	s0 =	rddreg [dreg:$0x0];
	s2 =	stileid.u32  }
0x45: {  	s1 =	rddreg [dreg:$0x1];
	p0 =	sne.s32 s2, $0x0  }
0x46: {  	s3 =	rddreg [dreg:$0x2];
	[bflag:$0x3] =	sbarrier.arrive $0xFFFF;
	s2 =	simm.s32 @!p0 $0x1C01  }
0x47: {  	[timem:s3], [sflag:s2] =	dma.local @!p0 [hbm:s0], s1  }
0x48: {  	s0 =	simm.s32 @!p0 $0x1  }
0x49: {  	_ =	swait.ge @!p0 [sflag:s0], s1  }
0x4a: {  	s1 =	ssub.s32 @!p0 $0x0, s1;
	[sflag:s0] =	ssyncset.done @!p0 $0x0  }
0x4b: {  	[sflag:s0] =	ssyncadd.s32 @!p0 s1  }
0x4c: {  	[bflag:$0x3] =	sbarrier.arrive $0xFFFF  }
0x4d: {  	_ =	shalt  }

</sc_bundles>
